<compile_context>
chip_gen: v7x
topology: tpu7x:2x2x1
jax: 0.10.2.dev20260603
libtpu: 0.0.44.dev20260713+nightly
codegen_flags: <defaults>
</compile_context>

<pallas_src>
import functools

import jax
import jax.numpy as jnp
from jax import lax
from jax.experimental import pallas as pl
from jax.experimental.pallas import tpu as pltpu
from jax.experimental.pallas import tpu_sc as plsc

D = 4096
H = D // 2
E = 8
TEMPERATURE = 1.0
MIN_USAGE_THRESHOLD = 0.01

TM = 1024

NC, NS = 2, 16
NW = NC * NS
VL = 16


def _mlp_block(x_ref, w1t_ref, b1_ref, w2t_ref, b2_ref, uc_ref, ss_ref,
               lt_ref, mask_ref):
    xb = x_ref[...].astype(jnp.bfloat16)
    h = jax.lax.dot(xb, w1t_ref[...],
                    preferred_element_type=jnp.float32)
    h = jnp.maximum(h + b1_ref[...], 0.0)
    logits = jax.lax.dot(h.astype(jnp.bfloat16), w2t_ref[...],
                         preferred_element_type=jnp.float32)
    logits = (logits + b2_ref[...]) / TEMPERATURE

    uc = uc_ref[...]
    ur = uc / jnp.sum(uc)
    ss = ss_ref[...]
    sp = jnp.exp(ss - jnp.max(ss))
    sp = sp / jnp.sum(sp)
    maskf = jnp.where((ur > MIN_USAGE_THRESHOLD) & (sp > 0.05), 1.0, 0.0)
    mask_ref[...] = maskf

    logits = jnp.where(maskf > 0.5, logits, -jnp.inf)
    lt_ref[...] = logits.T


def _mlp_logits(x, w1t, b1, w2t, b2, uc, ss, n):
    grid = (n // TM,)
    return pl.pallas_call(
        _mlp_block,
        grid=grid,
        in_specs=[
            pl.BlockSpec((TM, D), lambda i: (i, 0)),
            pl.BlockSpec((D, H), lambda i: (0, 0)),
            pl.BlockSpec((1, H), lambda i: (0, 0)),
            pl.BlockSpec((H, E), lambda i: (0, 0)),
            pl.BlockSpec((1, E), lambda i: (0, 0)),
            pl.BlockSpec((1, E), lambda i: (0, 0)),
            pl.BlockSpec((1, E), lambda i: (0, 0)),
        ],
        out_specs=[
            pl.BlockSpec((E, TM), lambda i: (0, i)),
            pl.BlockSpec((1, E), lambda i: (0, 0)),
        ],
        out_shape=[
            jax.ShapeDtypeStruct((E, n), jnp.float32),
            jax.ShapeDtypeStruct((1, E), jnp.float32),
        ],
        compiler_params=pltpu.CompilerParams(
            vmem_limit_bytes=64 * 1024 * 1024),
    )(x, w1t, b1.reshape(1, H), w2t, b2.reshape(1, E),
      uc.reshape(1, E), ss.reshape(1, E))


def _sc_tail(logits_t, thr_b, n):
    ch = n // NW
    mesh = plsc.VectorSubcoreMesh(core_axis_name="c", subcore_axis_name="s")

    @functools.partial(
        pl.kernel, mesh=mesh,
        out_type=jax.ShapeDtypeStruct((E, n), jnp.float32),
        scratch_types=[
            pltpu.VMEM((E, ch), jnp.float32),
            pltpu.VMEM((E, ch), jnp.float32),
            pltpu.VMEM((E, VL), jnp.float32),
            pltpu.SemaphoreType.DMA,
        ],
    )
    def tail(lg_hbm, thr_hbm, out_hbm, lg_v, out_v, thr_v, sem):
        wid = lax.axis_index("s") * NC + lax.axis_index("c")
        base = wid * ch
        pltpu.sync_copy(thr_hbm, thr_v)
        pltpu.async_copy(lg_hbm.at[:, pl.ds(base, ch)], lg_v, sem).wait()

        thr = [thr_v.at[e][...] for e in range(E)]

        @pl.loop(0, ch, step=VL)
        def _(c):
            l = [lg_v.at[e, pl.ds(c, VL)][...] for e in range(E)]
            m = l[0]
            for e in range(1, E):
                m = jnp.maximum(m, l[e])
            ex = [jnp.exp(l[e] - m) for e in range(E)]
            s = ex[0]
            for e in range(1, E):
                s = s + ex[e]
            p = [ex[e] / s for e in range(E)]
            p = [jnp.where(p[e] > thr[e], p[e], 0.0) for e in range(E)]

            m1 = p[0]
            for e in range(1, E):
                m1 = jnp.maximum(m1, p[e])
            i1 = jnp.where(p[0] == m1, 0.0, float(E))
            for e in range(1, E):
                i1 = jnp.minimum(i1, jnp.where(p[e] == m1, float(e), float(E)))
            p2 = [jnp.where(i1 == float(e), -1.0, p[e]) for e in range(E)]
            m2 = p2[0]
            for e in range(1, E):
                m2 = jnp.maximum(m2, p2[e])
            i2 = jnp.where(p2[0] == m2, 0.0, float(E))
            for e in range(1, E):
                i2 = jnp.minimum(i2, jnp.where(p2[e] == m2, float(e), float(E)))
            denom = m1 + m2 + 1e-9
            for e in range(E):
                sel = jnp.logical_or(i1 == float(e), i2 == float(e))
                out_v.at[e, pl.ds(c, VL)][...] = jnp.where(
                    sel, p[e] / denom, 0.0)

        pltpu.sync_copy(out_v, out_hbm.at[:, pl.ds(base, ch)])

    return tail(logits_t, thr_b)


@jax.jit
def kernel(inputs, W1, b1, W2, b2, routing_thresholds, usage_counts,
           specialization_scores):
    B, S, d = inputs.shape
    n = B * S
    x = inputs.reshape(n, d)
    w1t = W1.T.astype(jnp.bfloat16)
    w2t = W2.T.astype(jnp.bfloat16)

    logits_t, maskf = _mlp_logits(x, w1t, b1, w2t, b2, usage_counts,
                                  specialization_scores, n)
    thr_b = jnp.broadcast_to(routing_thresholds.reshape(E, 1), (E, VL))
    w_t = _sc_tail(logits_t, thr_b, n)

    routing_weights = w_t.T.reshape(B, S, E)
    expert_mask = maskf.reshape(E) > 0.5
    return (routing_weights, expert_mask)

# --- scband reference (transcript-rebuilt; emitter-appended) ---
"""Pipeline reference for scband-adaptive-router-75187697483947 (READ-ONLY COPY).

The authoritative reference and input builder live on the scoring server;
editing this copy changes nothing except your own understanding.
"""

import jax, jax.numpy as jnp
import numpy as np

D = 4096
H = D // 2
E = 8
TOPK = 2
TEMPERATURE = 1.0
MIN_USAGE_THRESHOLD = 0.01


def setup_inputs(seed: int = 0) -> dict:
    key = jax.random.key(seed)
    ks = jax.random.split(key, 6)
    inputs = jax.random.normal(ks[0], (4, 4096, D), dtype=jnp.float32)
    W1 = jax.random.normal(ks[1], (H, D), dtype=jnp.float32) * (1.0 / np.sqrt(D))
    b1 = jnp.zeros((H,), dtype=jnp.float32)
    W2 = jax.random.normal(ks[2], (E, H), dtype=jnp.float32) * (1.0 / np.sqrt(H))
    b2 = jnp.zeros((E,), dtype=jnp.float32)
    routing_thresholds = jnp.ones((E,), dtype=jnp.float32) * 0.1
    # realistic (post-warmup) expert metrics buffers; strictly positive usage so
    # no expert is spuriously pruned into an all -inf row (which would NaN the softmax)
    usage_counts = jax.random.uniform(ks[3], (E,), dtype=jnp.float32) + 0.1
    specialization_scores = jnp.zeros((E,), dtype=jnp.float32)
    return {
        "inputs": inputs,
        "W1": W1,
        "b1": b1,
        "W2": W2,
        "b2": b2,
        "routing_thresholds": routing_thresholds,
        "usage_counts": usage_counts,
        "specialization_scores": specialization_scores,
    }


def reference(inputs, W1, b1, W2, b2, routing_thresholds, usage_counts, specialization_scores):
    # router = Linear(D, D//2) -> ReLU -> Linear(D//2, E)
    h = jnp.maximum(jnp.einsum('bsd,hd->bsh', inputs, W1) + b1, 0.0)
    router_logits = jnp.einsum('bsh,eh->bse', h, W2) + b2
    router_logits = router_logits / TEMPERATURE
    # prune_experts(): mask from usage ratios and softmax of specialization scores
    usage_ratios = usage_counts / usage_counts.sum()
    specialization = jax.nn.softmax(specialization_scores, axis=0)
    expert_mask = (usage_ratios > MIN_USAGE_THRESHOLD) & (specialization > 0.05)
    router_logits = jnp.where(expert_mask, router_logits, -jnp.inf)
    routing_probs = jax.nn.softmax(router_logits, axis=-1)
    routing_probs = routing_probs * (routing_probs > routing_thresholds).astype(routing_probs.dtype)
    top_k_probs, top_k_indices = jax.lax.top_k(routing_probs, TOPK)
    top_k_probs_sum = top_k_probs.sum(axis=-1, keepdims=True)
    top_k_probs = top_k_probs / (top_k_probs_sum + 1e-9)
    # scatter_(-1, top_k_indices, top_k_probs) on a zeros tensor; topk indices are unique per token
    onehot = jax.nn.one_hot(top_k_indices, E, dtype=routing_probs.dtype)
    routing_weights = jnp.sum(onehot * top_k_probs[..., None], axis=-2)
    return (routing_weights, expert_mask)

if __name__ == "__main__":
    import jax
    _d = setup_inputs()
    print(jax.jit(kernel)(*tuple(_d.values())))

</pallas_src>

<mosaic_0001>
#map = affine_map<(d0, d1) -> (0, 0)>
module attributes {stable_mosaic.version = 14 : i64} {
  func.func @tail(%arg0: i32, %arg1: i32, %arg2: memref<8x16384xf32, #tpu.memory_space<hbm>>, %arg3: memref<8x16xf32, #tpu.memory_space<hbm>>, %arg4: memref<8x16384xf32, #tpu.memory_space<hbm>>, %arg5: memref<8x512xf32, #tpu.memory_space<vmem>>, %arg6: memref<8x512xf32, #tpu.memory_space<vmem>>, %arg7: memref<8x16xf32, #tpu.memory_space<vmem>>, %arg8: memref<!tpu.dma_semaphore, #tpu.memory_space<semaphore_mem>>) attributes {dimension_semantics = [#tpu.dimension_semantics<core_parallel>, #tpu.dimension_semantics<subcore_parallel>], iteration_bounds = array<i64: 2, 16>, scalar_prefetch = 0 : i64, scratch_operands = 4 : i64, tpu.core_type = #tpu.core_type<sc_vector_subcore>, window_params = [{transform_indices = #map}, {transform_indices = #map}, {transform_indices = #map}]} {
    %mul3A = arith.constant 2 : i32
    %mul3A_0 = arith.muli %arg1, %mul3A : i32
    %add3A = arith.addi %mul3A_0, %arg0 : i32
    %mul3A_1 = arith.constant 512 : i32
    %mul3A_2 = arith.muli %add3A, %mul3A_1 : i32
    "tpu.region"() ({
      %run_scoped3A = tpu.sem_alloc : memref<!tpu.dma_semaphore, #tpu.memory_space<semaphore_mem>>
      tpu.enqueue_dma source(%arg3 : memref<8x16xf32, #tpu.memory_space<hbm>>) target(%arg7 : memref<8x16xf32, #tpu.memory_space<vmem>>) target_semaphore(%run_scoped3A : memref<!tpu.dma_semaphore, #tpu.memory_space<semaphore_mem>>)
      tpu.wait_dma2 semaphore(%run_scoped3A : memref<!tpu.dma_semaphore, #tpu.memory_space<semaphore_mem>>) src(%arg3 : memref<8x16xf32, #tpu.memory_space<hbm>>) dst(%arg7 : memref<8x16xf32, #tpu.memory_space<vmem>>)
      tpu.yield
    }) : () -> ()
    %dma_start3A = arith.constant 0 : i32
    %dma_start3A_3 = tpu.memref_slice %arg2[%dma_start3A, %mul3A_2] : memref<8x16384xf32, #tpu.memory_space<hbm>> -> memref<8x512xf32, #tpu.memory_space<hbm>>
    %dma_start3A_4 = arith.constant 0 : i32
    %dma_start3A_5 = tpu.memref_slice %arg2[%dma_start3A_4, %mul3A_2] : memref<8x16384xf32, #tpu.memory_space<hbm>> -> memref<8x512xf32, #tpu.memory_space<hbm>>
    tpu.enqueue_dma source(%dma_start3A_5 : memref<8x512xf32, #tpu.memory_space<hbm>>) target(%arg5 : memref<8x512xf32, #tpu.memory_space<vmem>>) target_semaphore(%arg8 : memref<!tpu.dma_semaphore, #tpu.memory_space<semaphore_mem>>)
    %dma_wait3A = arith.constant 0 : i32
    %dma_wait3A_6 = tpu.memref_slice %arg2[%dma_wait3A, %mul3A_2] : memref<8x16384xf32, #tpu.memory_space<hbm>> -> memref<8x512xf32, #tpu.memory_space<hbm>>
    %dma_wait3A_7 = arith.constant 0 : i32
    %dma_wait3A_8 = tpu.memref_slice %arg2[%dma_wait3A_7, %mul3A_2] : memref<8x16384xf32, #tpu.memory_space<hbm>> -> memref<8x512xf32, #tpu.memory_space<hbm>>
    tpu.wait_dma2 semaphore(%arg8 : memref<!tpu.dma_semaphore, #tpu.memory_space<semaphore_mem>>) src(%dma_wait3A_8 : memref<8x512xf32, #tpu.memory_space<hbm>>) dst(%arg5 : memref<8x512xf32, #tpu.memory_space<vmem>>)
    %get3A = arith.constant 0 : i32
    %get3A_9 = arith.index_cast %get3A : i32 to index
    %get3A_10 = arith.constant 0 : index
    %get3A_11 = tpu.vector_load %arg7[%get3A_9, %get3A_10] {strides = array<i32>} : memref<8x16xf32, #tpu.memory_space<vmem>>, vector<1x16xf32>,
    %get3A_12 = vector.shape_cast %get3A_11 : vector<1x16xf32> to vector<16xf32>
    %get3A_13 = arith.constant 1 : i32
    %get3A_14 = arith.index_cast %get3A_13 : i32 to index
    %get3A_15 = arith.constant 0 : index
    %get3A_16 = tpu.vector_load %arg7[%get3A_14, %get3A_15] {strides = array<i32>} : memref<8x16xf32, #tpu.memory_space<vmem>>, vector<1x16xf32>,
    %get3A_17 = vector.shape_cast %get3A_16 : vector<1x16xf32> to vector<16xf32>
    %get3A_18 = arith.constant 2 : i32
    %get3A_19 = arith.index_cast %get3A_18 : i32 to index
    %get3A_20 = arith.constant 0 : index
    %get3A_21 = tpu.vector_load %arg7[%get3A_19, %get3A_20] {strides = array<i32>} : memref<8x16xf32, #tpu.memory_space<vmem>>, vector<1x16xf32>,
    %get3A_22 = vector.shape_cast %get3A_21 : vector<1x16xf32> to vector<16xf32>
    %get3A_23 = arith.constant 3 : i32
    %get3A_24 = arith.index_cast %get3A_23 : i32 to index
    %get3A_25 = arith.constant 0 : index
    %get3A_26 = tpu.vector_load %arg7[%get3A_24, %get3A_25] {strides = array<i32>} : memref<8x16xf32, #tpu.memory_space<vmem>>, vector<1x16xf32>,
    %get3A_27 = vector.shape_cast %get3A_26 : vector<1x16xf32> to vector<16xf32>
    %get3A_28 = arith.constant 4 : i32
    %get3A_29 = arith.index_cast %get3A_28 : i32 to index
    %get3A_30 = arith.constant 0 : index
    %get3A_31 = tpu.vector_load %arg7[%get3A_29, %get3A_30] {strides = array<i32>} : memref<8x16xf32, #tpu.memory_space<vmem>>, vector<1x16xf32>,
    %get3A_32 = vector.shape_cast %get3A_31 : vector<1x16xf32> to vector<16xf32>
    %get3A_33 = arith.constant 5 : i32
    %get3A_34 = arith.index_cast %get3A_33 : i32 to index
    %get3A_35 = arith.constant 0 : index
    %get3A_36 = tpu.vector_load %arg7[%get3A_34, %get3A_35] {strides = array<i32>} : memref<8x16xf32, #tpu.memory_space<vmem>>, vector<1x16xf32>,
    %get3A_37 = vector.shape_cast %get3A_36 : vector<1x16xf32> to vector<16xf32>
    %get3A_38 = arith.constant 6 : i32
    %get3A_39 = arith.index_cast %get3A_38 : i32 to index
    %get3A_40 = arith.constant 0 : index
    %get3A_41 = tpu.vector_load %arg7[%get3A_39, %get3A_40] {strides = array<i32>} : memref<8x16xf32, #tpu.memory_space<vmem>>, vector<1x16xf32>,
    %get3A_42 = vector.shape_cast %get3A_41 : vector<1x16xf32> to vector<16xf32>
    %get3A_43 = arith.constant 7 : i32
    %get3A_44 = arith.index_cast %get3A_43 : i32 to index
    %get3A_45 = arith.constant 0 : index
    %get3A_46 = tpu.vector_load %arg7[%get3A_44, %get3A_45] {strides = array<i32>} : memref<8x16xf32, #tpu.memory_space<vmem>>, vector<1x16xf32>,
    %get3A_47 = vector.shape_cast %get3A_46 : vector<1x16xf32> to vector<16xf32>
    %scan3A = arith.constant 0 : i32
    %scan3A_48 = arith.constant 32 : i32
    %scan3A_49 = arith.addi %scan3A, %scan3A_48 : i32
    %scan3A_50 = arith.constant 1 : i32
    scf.for %scan3A_52 = %scan3A to %scan3A_49 step %scan3A_50  : i32 {
      %mul3A_53 = arith.constant 16 : i32
      %mul3A_54 = arith.muli %scan3A_52, %mul3A_53 : i32
      %add3A_55 = arith.constant 0 : i32
      %add3A_56 = arith.addi %add3A_55, %mul3A_54 : i32
      %get3A_57 = arith.constant 0 : i32
      %get3A_58 = arith.index_cast %get3A_57 : i32 to index
      %get3A_59 = arith.index_cast %add3A_56 : i32 to index
      %get3A_60 = tpu.vector_load %arg5[%get3A_58, %get3A_59] {strides = array<i32>} : memref<8x512xf32, #tpu.memory_space<vmem>>, vector<1x16xf32>,
      %get3A_61 = vector.shape_cast %get3A_60 : vector<1x16xf32> to vector<16xf32>
      %get3A_62 = arith.constant 1 : i32
      %get3A_63 = arith.index_cast %get3A_62 : i32 to index
      %get3A_64 = arith.index_cast %add3A_56 : i32 to index
      %get3A_65 = tpu.vector_load %arg5[%get3A_63, %get3A_64] {strides = array<i32>} : memref<8x512xf32, #tpu.memory_space<vmem>>, vector<1x16xf32>,
      %get3A_66 = vector.shape_cast %get3A_65 : vector<1x16xf32> to vector<16xf32>
      %get3A_67 = arith.constant 2 : i32
      %get3A_68 = arith.index_cast %get3A_67 : i32 to index
      %get3A_69 = arith.index_cast %add3A_56 : i32 to index
      %get3A_70 = tpu.vector_load %arg5[%get3A_68, %get3A_69] {strides = array<i32>} : memref<8x512xf32, #tpu.memory_space<vmem>>, vector<1x16xf32>,
      %get3A_71 = vector.shape_cast %get3A_70 : vector<1x16xf32> to vector<16xf32>
      %get3A_72 = arith.constant 3 : i32
      %get3A_73 = arith.index_cast %get3A_72 : i32 to index
      %get3A_74 = arith.index_cast %add3A_56 : i32 to index
      %get3A_75 = tpu.vector_load %arg5[%get3A_73, %get3A_74] {strides = array<i32>} : memref<8x512xf32, #tpu.memory_space<vmem>>, vector<1x16xf32>,
      %get3A_76 = vector.shape_cast %get3A_75 : vector<1x16xf32> to vector<16xf32>
      %get3A_77 = arith.constant 4 : i32
      %get3A_78 = arith.index_cast %get3A_77 : i32 to index
      %get3A_79 = arith.index_cast %add3A_56 : i32 to index
      %get3A_80 = tpu.vector_load %arg5[%get3A_78, %get3A_79] {strides = array<i32>} : memref<8x512xf32, #tpu.memory_space<vmem>>, vector<1x16xf32>,
      %get3A_81 = vector.shape_cast %get3A_80 : vector<1x16xf32> to vector<16xf32>
      %get3A_82 = arith.constant 5 : i32
      %get3A_83 = arith.index_cast %get3A_82 : i32 to index
      %get3A_84 = arith.index_cast %add3A_56 : i32 to index
      %get3A_85 = tpu.vector_load %arg5[%get3A_83, %get3A_84] {strides = array<i32>} : memref<8x512xf32, #tpu.memory_space<vmem>>, vector<1x16xf32>,
      %get3A_86 = vector.shape_cast %get3A_85 : vector<1x16xf32> to vector<16xf32>
      %get3A_87 = arith.constant 6 : i32
      %get3A_88 = arith.index_cast %get3A_87 : i32 to index
      %get3A_89 = arith.index_cast %add3A_56 : i32 to index
      %get3A_90 = tpu.vector_load %arg5[%get3A_88, %get3A_89] {strides = array<i32>} : memref<8x512xf32, #tpu.memory_space<vmem>>, vector<1x16xf32>,
      %get3A_91 = vector.shape_cast %get3A_90 : vector<1x16xf32> to vector<16xf32>
      %get3A_92 = arith.constant 7 : i32
      %get3A_93 = arith.index_cast %get3A_92 : i32 to index
      %get3A_94 = arith.index_cast %add3A_56 : i32 to index
      %get3A_95 = tpu.vector_load %arg5[%get3A_93, %get3A_94] {strides = array<i32>} : memref<8x512xf32, #tpu.memory_space<vmem>>, vector<1x16xf32>,
      %get3A_96 = vector.shape_cast %get3A_95 : vector<1x16xf32> to vector<16xf32>
      %max3A = arith.maximumf %get3A_61, %get3A_66 : vector<16xf32>
      %max3A_97 = arith.maximumf %max3A, %get3A_71 : vector<16xf32>
      %max3A_98 = arith.maximumf %max3A_97, %get3A_76 : vector<16xf32>
      %max3A_99 = arith.maximumf %max3A_98, %get3A_81 : vector<16xf32>
      %max3A_100 = arith.maximumf %max3A_99, %get3A_86 : vector<16xf32>
      %max3A_101 = arith.maximumf %max3A_100, %get3A_91 : vector<16xf32>
      %max3A_102 = arith.maximumf %max3A_101, %get3A_96 : vector<16xf32>
      %sub3A = arith.subf %get3A_61, %max3A_102 : vector<16xf32>
      %exp3A = math.exp %sub3A : vector<16xf32>
      %sub3A_103 = arith.subf %get3A_66, %max3A_102 : vector<16xf32>
      %exp3A_104 = math.exp %sub3A_103 : vector<16xf32>
      %sub3A_105 = arith.subf %get3A_71, %max3A_102 : vector<16xf32>
      %exp3A_106 = math.exp %sub3A_105 : vector<16xf32>
      %sub3A_107 = arith.subf %get3A_76, %max3A_102 : vector<16xf32>
      %exp3A_108 = math.exp %sub3A_107 : vector<16xf32>
      %sub3A_109 = arith.subf %get3A_81, %max3A_102 : vector<16xf32>
      %exp3A_110 = math.exp %sub3A_109 : vector<16xf32>
      %sub3A_111 = arith.subf %get3A_86, %max3A_102 : vector<16xf32>
      %exp3A_112 = math.exp %sub3A_111 : vector<16xf32>
      %sub3A_113 = arith.subf %get3A_91, %max3A_102 : vector<16xf32>
      %exp3A_114 = math.exp %sub3A_113 : vector<16xf32>
      %sub3A_115 = arith.subf %get3A_96, %max3A_102 : vector<16xf32>
      %exp3A_116 = math.exp %sub3A_115 : vector<16xf32>
      %add3A_117 = arith.addf %exp3A, %exp3A_104 : vector<16xf32>
      %add3A_118 = arith.addf %add3A_117, %exp3A_106 : vector<16xf32>
      %add3A_119 = arith.addf %add3A_118, %exp3A_108 : vector<16xf32>
      %add3A_120 = arith.addf %add3A_119, %exp3A_110 : vector<16xf32>
      %add3A_121 = arith.addf %add3A_120, %exp3A_112 : vector<16xf32>
      %add3A_122 = arith.addf %add3A_121, %exp3A_114 : vector<16xf32>
      %add3A_123 = arith.addf %add3A_122, %exp3A_116 : vector<16xf32>
      %div3A = arith.divf %exp3A, %add3A_123 : vector<16xf32>
      %div3A_124 = arith.divf %exp3A_104, %add3A_123 : vector<16xf32>
      %div3A_125 = arith.divf %exp3A_106, %add3A_123 : vector<16xf32>
      %div3A_126 = arith.divf %exp3A_108, %add3A_123 : vector<16xf32>
      %div3A_127 = arith.divf %exp3A_110, %add3A_123 : vector<16xf32>
      %div3A_128 = arith.divf %exp3A_112, %add3A_123 : vector<16xf32>
      %div3A_129 = arith.divf %exp3A_114, %add3A_123 : vector<16xf32>
      %div3A_130 = arith.divf %exp3A_116, %add3A_123 : vector<16xf32>
      %gt3A = arith.cmpf ogt, %div3A, %get3A_12 : vector<16xf32>
      %jit3A = arith.constant 0.000000e+00 : f32
      %broadcast_in_dim3A = vector.broadcast %jit3A : f32 to vector<16xf32>
      %select_n3A = arith.select %gt3A, %div3A, %broadcast_in_dim3A : vector<16xi1>, vector<16xf32>
      %gt3A_131 = arith.cmpf ogt, %div3A_124, %get3A_17 : vector<16xf32>
      %jit3A_132 = arith.constant 0.000000e+00 : f32
      %broadcast_in_dim3A_133 = vector.broadcast %jit3A_132 : f32 to vector<16xf32>
      %select_n3A_134 = arith.select %gt3A_131, %div3A_124, %broadcast_in_dim3A_133 : vector<16xi1>, vector<16xf32>
      %gt3A_135 = arith.cmpf ogt, %div3A_125, %get3A_22 : vector<16xf32>
      %jit3A_136 = arith.constant 0.000000e+00 : f32
      %broadcast_in_dim3A_137 = vector.broadcast %jit3A_136 : f32 to vector<16xf32>
      %select_n3A_138 = arith.select %gt3A_135, %div3A_125, %broadcast_in_dim3A_137 : vector<16xi1>, vector<16xf32>
      %gt3A_139 = arith.cmpf ogt, %div3A_126, %get3A_27 : vector<16xf32>
      %jit3A_140 = arith.constant 0.000000e+00 : f32
      %broadcast_in_dim3A_141 = vector.broadcast %jit3A_140 : f32 to vector<16xf32>
      %select_n3A_142 = arith.select %gt3A_139, %div3A_126, %broadcast_in_dim3A_141 : vector<16xi1>, vector<16xf32>
      %gt3A_143 = arith.cmpf ogt, %div3A_127, %get3A_32 : vector<16xf32>
      %jit3A_144 = arith.constant 0.000000e+00 : f32
      %broadcast_in_dim3A_145 = vector.broadcast %jit3A_144 : f32 to vector<16xf32>
      %select_n3A_146 = arith.select %gt3A_143, %div3A_127, %broadcast_in_dim3A_145 : vector<16xi1>, vector<16xf32>
      %gt3A_147 = arith.cmpf ogt, %div3A_128, %get3A_37 : vector<16xf32>
      %jit3A_148 = arith.constant 0.000000e+00 : f32
      %broadcast_in_dim3A_149 = vector.broadcast %jit3A_148 : f32 to vector<16xf32>
      %select_n3A_150 = arith.select %gt3A_147, %div3A_128, %broadcast_in_dim3A_149 : vector<16xi1>, vector<16xf32>
      %gt3A_151 = arith.cmpf ogt, %div3A_129, %get3A_42 : vector<16xf32>
      %jit3A_152 = arith.constant 0.000000e+00 : f32
      %broadcast_in_dim3A_153 = vector.broadcast %jit3A_152 : f32 to vector<16xf32>
      %select_n3A_154 = arith.select %gt3A_151, %div3A_129, %broadcast_in_dim3A_153 : vector<16xi1>, vector<16xf32>
      %gt3A_155 = arith.cmpf ogt, %div3A_130, %get3A_47 : vector<16xf32>
      %jit3A_156 = arith.constant 0.000000e+00 : f32
      %broadcast_in_dim3A_157 = vector.broadcast %jit3A_156 : f32 to vector<16xf32>
      %select_n3A_158 = arith.select %gt3A_155, %div3A_130, %broadcast_in_dim3A_157 : vector<16xi1>, vector<16xf32>
      %max3A_159 = arith.maximumf %select_n3A, %select_n3A_134 : vector<16xf32>
      %max3A_160 = arith.maximumf %max3A_159, %select_n3A_138 : vector<16xf32>
      %max3A_161 = arith.maximumf %max3A_160, %select_n3A_142 : vector<16xf32>
      %max3A_162 = arith.maximumf %max3A_161, %select_n3A_146 : vector<16xf32>
      %max3A_163 = arith.maximumf %max3A_162, %select_n3A_150 : vector<16xf32>
      %max3A_164 = arith.maximumf %max3A_163, %select_n3A_154 : vector<16xf32>
      %max3A_165 = arith.maximumf %max3A_164, %select_n3A_158 : vector<16xf32>
      %eq3A = arith.cmpf oeq, %select_n3A, %max3A_165 : vector<16xf32>
      %jit3A_166 = arith.constant 0.000000e+00 : f32
      %jit3A_167 = arith.constant 8.000000e+00 : f32
      %broadcast_in_dim3A_168 = vector.broadcast %jit3A_166 : f32 to vector<16xf32>
      %broadcast_in_dim3A_169 = vector.broadcast %jit3A_167 : f32 to vector<16xf32>
      %select_n3A_170 = arith.select %eq3A, %broadcast_in_dim3A_168, %broadcast_in_dim3A_169 : vector<16xi1>, vector<16xf32>
      %eq3A_171 = arith.cmpf oeq, %select_n3A_134, %max3A_165 : vector<16xf32>
      %jit3A_172 = arith.constant 1.000000e+00 : f32
      %jit3A_173 = arith.constant 8.000000e+00 : f32
      %broadcast_in_dim3A_174 = vector.broadcast %jit3A_172 : f32 to vector<16xf32>
      %broadcast_in_dim3A_175 = vector.broadcast %jit3A_173 : f32 to vector<16xf32>
      %select_n3A_176 = arith.select %eq3A_171, %broadcast_in_dim3A_174, %broadcast_in_dim3A_175 : vector<16xi1>, vector<16xf32>
      %min3A = arith.minimumf %select_n3A_170, %select_n3A_176 : vector<16xf32>
      %eq3A_177 = arith.cmpf oeq, %select_n3A_138, %max3A_165 : vector<16xf32>
      %jit3A_178 = arith.constant 2.000000e+00 : f32
      %jit3A_179 = arith.constant 8.000000e+00 : f32
      %broadcast_in_dim3A_180 = vector.broadcast %jit3A_178 : f32 to vector<16xf32>
      %broadcast_in_dim3A_181 = vector.broadcast %jit3A_179 : f32 to vector<16xf32>
      %select_n3A_182 = arith.select %eq3A_177, %broadcast_in_dim3A_180, %broadcast_in_dim3A_181 : vector<16xi1>, vector<16xf32>
      %min3A_183 = arith.minimumf %min3A, %select_n3A_182 : vector<16xf32>
      %eq3A_184 = arith.cmpf oeq, %select_n3A_142, %max3A_165 : vector<16xf32>
      %jit3A_185 = arith.constant 3.000000e+00 : f32
      %jit3A_186 = arith.constant 8.000000e+00 : f32
      %broadcast_in_dim3A_187 = vector.broadcast %jit3A_185 : f32 to vector<16xf32>
      %broadcast_in_dim3A_188 = vector.broadcast %jit3A_186 : f32 to vector<16xf32>
      %select_n3A_189 = arith.select %eq3A_184, %broadcast_in_dim3A_187, %broadcast_in_dim3A_188 : vector<16xi1>, vector<16xf32>
      %min3A_190 = arith.minimumf %min3A_183, %select_n3A_189 : vector<16xf32>
      %eq3A_191 = arith.cmpf oeq, %select_n3A_146, %max3A_165 : vector<16xf32>
      %jit3A_192 = arith.constant 4.000000e+00 : f32
      %jit3A_193 = arith.constant 8.000000e+00 : f32
      %broadcast_in_dim3A_194 = vector.broadcast %jit3A_192 : f32 to vector<16xf32>
      %broadcast_in_dim3A_195 = vector.broadcast %jit3A_193 : f32 to vector<16xf32>
      %select_n3A_196 = arith.select %eq3A_191, %broadcast_in_dim3A_194, %broadcast_in_dim3A_195 : vector<16xi1>, vector<16xf32>
      %min3A_197 = arith.minimumf %min3A_190, %select_n3A_196 : vector<16xf32>
      %eq3A_198 = arith.cmpf oeq, %select_n3A_150, %max3A_165 : vector<16xf32>
      %jit3A_199 = arith.constant 5.000000e+00 : f32
      %jit3A_200 = arith.constant 8.000000e+00 : f32
      %broadcast_in_dim3A_201 = vector.broadcast %jit3A_199 : f32 to vector<16xf32>
      %broadcast_in_dim3A_202 = vector.broadcast %jit3A_200 : f32 to vector<16xf32>
      %select_n3A_203 = arith.select %eq3A_198, %broadcast_in_dim3A_201, %broadcast_in_dim3A_202 : vector<16xi1>, vector<16xf32>
      %min3A_204 = arith.minimumf %min3A_197, %select_n3A_203 : vector<16xf32>
      %eq3A_205 = arith.cmpf oeq, %select_n3A_154, %max3A_165 : vector<16xf32>
      %jit3A_206 = arith.constant 6.000000e+00 : f32
      %jit3A_207 = arith.constant 8.000000e+00 : f32
      %broadcast_in_dim3A_208 = vector.broadcast %jit3A_206 : f32 to vector<16xf32>
      %broadcast_in_dim3A_209 = vector.broadcast %jit3A_207 : f32 to vector<16xf32>
      %select_n3A_210 = arith.select %eq3A_205, %broadcast_in_dim3A_208, %broadcast_in_dim3A_209 : vector<16xi1>, vector<16xf32>
      %min3A_211 = arith.minimumf %min3A_204, %select_n3A_210 : vector<16xf32>
      %eq3A_212 = arith.cmpf oeq, %select_n3A_158, %max3A_165 : vector<16xf32>
      %jit3A_213 = arith.constant 7.000000e+00 : f32
      %jit3A_214 = arith.constant 8.000000e+00 : f32
      %broadcast_in_dim3A_215 = vector.broadcast %jit3A_213 : f32 to vector<16xf32>
      %broadcast_in_dim3A_216 = vector.broadcast %jit3A_214 : f32 to vector<16xf32>
      %select_n3A_217 = arith.select %eq3A_212, %broadcast_in_dim3A_215, %broadcast_in_dim3A_216 : vector<16xi1>, vector<16xf32>
      %min3A_218 = arith.minimumf %min3A_211, %select_n3A_217 : vector<16xf32>
      %eq3A_219 = arith.constant 0.000000e+00 : f32
      %eq3A_220 = vector.broadcast %eq3A_219 : f32 to vector<16xf32>
      %eq3A_221 = arith.cmpf oeq, %min3A_218, %eq3A_220 : vector<16xf32>
      %jit3A_222 = arith.constant -1.000000e+00 : f32
      %broadcast_in_dim3A_223 = vector.broadcast %jit3A_222 : f32 to vector<16xf32>
      %select_n3A_224 = arith.select %eq3A_221, %broadcast_in_dim3A_223, %select_n3A : vector<16xi1>, vector<16xf32>
      %eq3A_225 = arith.constant 1.000000e+00 : f32
      %eq3A_226 = vector.broadcast %eq3A_225 : f32 to vector<16xf32>
      %eq3A_227 = arith.cmpf oeq, %min3A_218, %eq3A_226 : vector<16xf32>
      %jit3A_228 = arith.constant -1.000000e+00 : f32
      %broadcast_in_dim3A_229 = vector.broadcast %jit3A_228 : f32 to vector<16xf32>
      %select_n3A_230 = arith.select %eq3A_227, %broadcast_in_dim3A_229, %select_n3A_134 : vector<16xi1>, vector<16xf32>
      %eq3A_231 = arith.constant 2.000000e+00 : f32
      %eq3A_232 = vector.broadcast %eq3A_231 : f32 to vector<16xf32>
      %eq3A_233 = arith.cmpf oeq, %min3A_218, %eq3A_232 : vector<16xf32>
      %jit3A_234 = arith.constant -1.000000e+00 : f32
      %broadcast_in_dim3A_235 = vector.broadcast %jit3A_234 : f32 to vector<16xf32>
      %select_n3A_236 = arith.select %eq3A_233, %broadcast_in_dim3A_235, %select_n3A_138 : vector<16xi1>, vector<16xf32>
      %eq3A_237 = arith.constant 3.000000e+00 : f32
      %eq3A_238 = vector.broadcast %eq3A_237 : f32 to vector<16xf32>
      %eq3A_239 = arith.cmpf oeq, %min3A_218, %eq3A_238 : vector<16xf32>
      %jit3A_240 = arith.constant -1.000000e+00 : f32
      %broadcast_in_dim3A_241 = vector.broadcast %jit3A_240 : f32 to vector<16xf32>
      %select_n3A_242 = arith.select %eq3A_239, %broadcast_in_dim3A_241, %select_n3A_142 : vector<16xi1>, vector<16xf32>
      %eq3A_243 = arith.constant 4.000000e+00 : f32
      %eq3A_244 = vector.broadcast %eq3A_243 : f32 to vector<16xf32>
      %eq3A_245 = arith.cmpf oeq, %min3A_218, %eq3A_244 : vector<16xf32>
      %jit3A_246 = arith.constant -1.000000e+00 : f32
      %broadcast_in_dim3A_247 = vector.broadcast %jit3A_246 : f32 to vector<16xf32>
      %select_n3A_248 = arith.select %eq3A_245, %broadcast_in_dim3A_247, %select_n3A_146 : vector<16xi1>, vector<16xf32>
      %eq3A_249 = arith.constant 5.000000e+00 : f32
      %eq3A_250 = vector.broadcast %eq3A_249 : f32 to vector<16xf32>
      %eq3A_251 = arith.cmpf oeq, %min3A_218, %eq3A_250 : vector<16xf32>
      %jit3A_252 = arith.constant -1.000000e+00 : f32
      %broadcast_in_dim3A_253 = vector.broadcast %jit3A_252 : f32 to vector<16xf32>
      %select_n3A_254 = arith.select %eq3A_251, %broadcast_in_dim3A_253, %select_n3A_150 : vector<16xi1>, vector<16xf32>
      %eq3A_255 = arith.constant 6.000000e+00 : f32
      %eq3A_256 = vector.broadcast %eq3A_255 : f32 to vector<16xf32>
      %eq3A_257 = arith.cmpf oeq, %min3A_218, %eq3A_256 : vector<16xf32>
      %jit3A_258 = arith.constant -1.000000e+00 : f32
      %broadcast_in_dim3A_259 = vector.broadcast %jit3A_258 : f32 to vector<16xf32>
      %select_n3A_260 = arith.select %eq3A_257, %broadcast_in_dim3A_259, %select_n3A_154 : vector<16xi1>, vector<16xf32>
      %eq3A_261 = arith.constant 7.000000e+00 : f32
      %eq3A_262 = vector.broadcast %eq3A_261 : f32 to vector<16xf32>
      %eq3A_263 = arith.cmpf oeq, %min3A_218, %eq3A_262 : vector<16xf32>
      %jit3A_264 = arith.constant -1.000000e+00 : f32
      %broadcast_in_dim3A_265 = vector.broadcast %jit3A_264 : f32 to vector<16xf32>
      %select_n3A_266 = arith.select %eq3A_263, %broadcast_in_dim3A_265, %select_n3A_158 : vector<16xi1>, vector<16xf32>
      %max3A_267 = arith.maximumf %select_n3A_224, %select_n3A_230 : vector<16xf32>
      %max3A_268 = arith.maximumf %max3A_267, %select_n3A_236 : vector<16xf32>
      %max3A_269 = arith.maximumf %max3A_268, %select_n3A_242 : vector<16xf32>
      %max3A_270 = arith.maximumf %max3A_269, %select_n3A_248 : vector<16xf32>
      %max3A_271 = arith.maximumf %max3A_270, %select_n3A_254 : vector<16xf32>
      %max3A_272 = arith.maximumf %max3A_271, %select_n3A_260 : vector<16xf32>
      %max3A_273 = arith.maximumf %max3A_272, %select_n3A_266 : vector<16xf32>
      %eq3A_274 = arith.cmpf oeq, %select_n3A_224, %max3A_273 : vector<16xf32>
      %jit3A_275 = arith.constant 0.000000e+00 : f32
      %jit3A_276 = arith.constant 8.000000e+00 : f32
      %broadcast_in_dim3A_277 = vector.broadcast %jit3A_275 : f32 to vector<16xf32>
      %broadcast_in_dim3A_278 = vector.broadcast %jit3A_276 : f32 to vector<16xf32>
      %select_n3A_279 = arith.select %eq3A_274, %broadcast_in_dim3A_277, %broadcast_in_dim3A_278 : vector<16xi1>, vector<16xf32>
      %eq3A_280 = arith.cmpf oeq, %select_n3A_230, %max3A_273 : vector<16xf32>
      %jit3A_281 = arith.constant 1.000000e+00 : f32
      %jit3A_282 = arith.constant 8.000000e+00 : f32
      %broadcast_in_dim3A_283 = vector.broadcast %jit3A_281 : f32 to vector<16xf32>
      %broadcast_in_dim3A_284 = vector.broadcast %jit3A_282 : f32 to vector<16xf32>
      %select_n3A_285 = arith.select %eq3A_280, %broadcast_in_dim3A_283, %broadcast_in_dim3A_284 : vector<16xi1>, vector<16xf32>
      %min3A_286 = arith.minimumf %select_n3A_279, %select_n3A_285 : vector<16xf32>
      %eq3A_287 = arith.cmpf oeq, %select_n3A_236, %max3A_273 : vector<16xf32>
      %jit3A_288 = arith.constant 2.000000e+00 : f32
      %jit3A_289 = arith.constant 8.000000e+00 : f32
      %broadcast_in_dim3A_290 = vector.broadcast %jit3A_288 : f32 to vector<16xf32>
      %broadcast_in_dim3A_291 = vector.broadcast %jit3A_289 : f32 to vector<16xf32>
      %select_n3A_292 = arith.select %eq3A_287, %broadcast_in_dim3A_290, %broadcast_in_dim3A_291 : vector<16xi1>, vector<16xf32>
      %min3A_293 = arith.minimumf %min3A_286, %select_n3A_292 : vector<16xf32>
      %eq3A_294 = arith.cmpf oeq, %select_n3A_242, %max3A_273 : vector<16xf32>
      %jit3A_295 = arith.constant 3.000000e+00 : f32
      %jit3A_296 = arith.constant 8.000000e+00 : f32
      %broadcast_in_dim3A_297 = vector.broadcast %jit3A_295 : f32 to vector<16xf32>
      %broadcast_in_dim3A_298 = vector.broadcast %jit3A_296 : f32 to vector<16xf32>
      %select_n3A_299 = arith.select %eq3A_294, %broadcast_in_dim3A_297, %broadcast_in_dim3A_298 : vector<16xi1>, vector<16xf32>
      %min3A_300 = arith.minimumf %min3A_293, %select_n3A_299 : vector<16xf32>
      %eq3A_301 = arith.cmpf oeq, %select_n3A_248, %max3A_273 : vector<16xf32>
      %jit3A_302 = arith.constant 4.000000e+00 : f32
      %jit3A_303 = arith.constant 8.000000e+00 : f32
      %broadcast_in_dim3A_304 = vector.broadcast %jit3A_302 : f32 to vector<16xf32>
      %broadcast_in_dim3A_305 = vector.broadcast %jit3A_303 : f32 to vector<16xf32>
      %select_n3A_306 = arith.select %eq3A_301, %broadcast_in_dim3A_304, %broadcast_in_dim3A_305 : vector<16xi1>, vector<16xf32>
      %min3A_307 = arith.minimumf %min3A_300, %select_n3A_306 : vector<16xf32>
      %eq3A_308 = arith.cmpf oeq, %select_n3A_254, %max3A_273 : vector<16xf32>
      %jit3A_309 = arith.constant 5.000000e+00 : f32
      %jit3A_310 = arith.constant 8.000000e+00 : f32
      %broadcast_in_dim3A_311 = vector.broadcast %jit3A_309 : f32 to vector<16xf32>
      %broadcast_in_dim3A_312 = vector.broadcast %jit3A_310 : f32 to vector<16xf32>
      %select_n3A_313 = arith.select %eq3A_308, %broadcast_in_dim3A_311, %broadcast_in_dim3A_312 : vector<16xi1>, vector<16xf32>
      %min3A_314 = arith.minimumf %min3A_307, %select_n3A_313 : vector<16xf32>
      %eq3A_315 = arith.cmpf oeq, %select_n3A_260, %max3A_273 : vector<16xf32>
      %jit3A_316 = arith.constant 6.000000e+00 : f32
      %jit3A_317 = arith.constant 8.000000e+00 : f32
      %broadcast_in_dim3A_318 = vector.broadcast %jit3A_316 : f32 to vector<16xf32>
      %broadcast_in_dim3A_319 = vector.broadcast %jit3A_317 : f32 to vector<16xf32>
      %select_n3A_320 = arith.select %eq3A_315, %broadcast_in_dim3A_318, %broadcast_in_dim3A_319 : vector<16xi1>, vector<16xf32>
      %min3A_321 = arith.minimumf %min3A_314, %select_n3A_320 : vector<16xf32>
      %eq3A_322 = arith.cmpf oeq, %select_n3A_266, %max3A_273 : vector<16xf32>
      %jit3A_323 = arith.constant 7.000000e+00 : f32
      %jit3A_324 = arith.constant 8.000000e+00 : f32
      %broadcast_in_dim3A_325 = vector.broadcast %jit3A_323 : f32 to vector<16xf32>
      %broadcast_in_dim3A_326 = vector.broadcast %jit3A_324 : f32 to vector<16xf32>
      %select_n3A_327 = arith.select %eq3A_322, %broadcast_in_dim3A_325, %broadcast_in_dim3A_326 : vector<16xi1>, vector<16xf32>
      %min3A_328 = arith.minimumf %min3A_321, %select_n3A_327 : vector<16xf32>
      %add3A_329 = arith.addf %max3A_165, %max3A_273 : vector<16xf32>
      %add3A_330 = arith.constant 9.99999971E-10 : f32
      %add3A_331 = vector.broadcast %add3A_330 : f32 to vector<16xf32>
      %add3A_332 = arith.addf %add3A_329, %add3A_331 : vector<16xf32>
      %eq3A_333 = arith.constant 0.000000e+00 : f32
      %eq3A_334 = vector.broadcast %eq3A_333 : f32 to vector<16xf32>
      %eq3A_335 = arith.cmpf oeq, %min3A_218, %eq3A_334 : vector<16xf32>
      %eq3A_336 = arith.constant 0.000000e+00 : f32
      %eq3A_337 = vector.broadcast %eq3A_336 : f32 to vector<16xf32>
      %eq3A_338 = arith.cmpf oeq, %min3A_328, %eq3A_337 : vector<16xf32>
      %or3A = arith.ori %eq3A_335, %eq3A_338 : vector<16xi1>
      %div3A_339 = arith.divf %select_n3A, %add3A_332 : vector<16xf32>
      %jit3A_340 = arith.constant 0.000000e+00 : f32
      %broadcast_in_dim3A_341 = vector.broadcast %jit3A_340 : f32 to vector<16xf32>
      %select_n3A_342 = arith.select %or3A, %div3A_339, %broadcast_in_dim3A_341 : vector<16xi1>, vector<16xf32>
      %swap3A = arith.constant 0 : i32
      %swap3A_343 = arith.index_cast %swap3A : i32 to index
      %swap3A_344 = arith.index_cast %add3A_56 : i32 to index
      %swap3A_345 = tpu.vector_load %arg6[%swap3A_343, %swap3A_344] {strides = array<i32>} : memref<8x512xf32, #tpu.memory_space<vmem>>, vector<1x16xf32>,
      %swap3A_346 = vector.shape_cast %swap3A_345 : vector<1x16xf32> to vector<16xf32>
      %swap3A_347 = vector.shape_cast %select_n3A_342 : vector<16xf32> to vector<1x16xf32>
      tpu.vector_store %arg6[%swap3A_343, %swap3A_344], %swap3A_347 {strides = array<i32>} : memref<8x512xf32, #tpu.memory_space<vmem>>, vector<1x16xf32>,
      %eq3A_348 = arith.constant 1.000000e+00 : f32
      %eq3A_349 = vector.broadcast %eq3A_348 : f32 to vector<16xf32>
      %eq3A_350 = arith.cmpf oeq, %min3A_218, %eq3A_349 : vector<16xf32>
      %eq3A_351 = arith.constant 1.000000e+00 : f32
      %eq3A_352 = vector.broadcast %eq3A_351 : f32 to vector<16xf32>
      %eq3A_353 = arith.cmpf oeq, %min3A_328, %eq3A_352 : vector<16xf32>
      %or3A_354 = arith.ori %eq3A_350, %eq3A_353 : vector<16xi1>
      %div3A_355 = arith.divf %select_n3A_134, %add3A_332 : vector<16xf32>
      %jit3A_356 = arith.constant 0.000000e+00 : f32
      %broadcast_in_dim3A_357 = vector.broadcast %jit3A_356 : f32 to vector<16xf32>
      %select_n3A_358 = arith.select %or3A_354, %div3A_355, %broadcast_in_dim3A_357 : vector<16xi1>, vector<16xf32>
      %swap3A_359 = arith.constant 1 : i32
      %swap3A_360 = arith.index_cast %swap3A_359 : i32 to index
      %swap3A_361 = arith.index_cast %add3A_56 : i32 to index
      %swap3A_362 = tpu.vector_load %arg6[%swap3A_360, %swap3A_361] {strides = array<i32>} : memref<8x512xf32, #tpu.memory_space<vmem>>, vector<1x16xf32>,
      %swap3A_363 = vector.shape_cast %swap3A_362 : vector<1x16xf32> to vector<16xf32>
      %swap3A_364 = vector.shape_cast %select_n3A_358 : vector<16xf32> to vector<1x16xf32>
      tpu.vector_store %arg6[%swap3A_360, %swap3A_361], %swap3A_364 {strides = array<i32>} : memref<8x512xf32, #tpu.memory_space<vmem>>, vector<1x16xf32>,
      %eq3A_365 = arith.constant 2.000000e+00 : f32
      %eq3A_366 = vector.broadcast %eq3A_365 : f32 to vector<16xf32>
      %eq3A_367 = arith.cmpf oeq, %min3A_218, %eq3A_366 : vector<16xf32>
      %eq3A_368 = arith.constant 2.000000e+00 : f32
      %eq3A_369 = vector.broadcast %eq3A_368 : f32 to vector<16xf32>
      %eq3A_370 = arith.cmpf oeq, %min3A_328, %eq3A_369 : vector<16xf32>
      %or3A_371 = arith.ori %eq3A_367, %eq3A_370 : vector<16xi1>
      %div3A_372 = arith.divf %select_n3A_138, %add3A_332 : vector<16xf32>
      %jit3A_373 = arith.constant 0.000000e+00 : f32
      %broadcast_in_dim3A_374 = vector.broadcast %jit3A_373 : f32 to vector<16xf32>
      %select_n3A_375 = arith.select %or3A_371, %div3A_372, %broadcast_in_dim3A_374 : vector<16xi1>, vector<16xf32>
      %swap3A_376 = arith.constant 2 : i32
      %swap3A_377 = arith.index_cast %swap3A_376 : i32 to index
      %swap3A_378 = arith.index_cast %add3A_56 : i32 to index
      %swap3A_379 = tpu.vector_load %arg6[%swap3A_377, %swap3A_378] {strides = array<i32>} : memref<8x512xf32, #tpu.memory_space<vmem>>, vector<1x16xf32>,
      %swap3A_380 = vector.shape_cast %swap3A_379 : vector<1x16xf32> to vector<16xf32>
      %swap3A_381 = vector.shape_cast %select_n3A_375 : vector<16xf32> to vector<1x16xf32>
      tpu.vector_store %arg6[%swap3A_377, %swap3A_378], %swap3A_381 {strides = array<i32>} : memref<8x512xf32, #tpu.memory_space<vmem>>, vector<1x16xf32>,
      %eq3A_382 = arith.constant 3.000000e+00 : f32
      %eq3A_383 = vector.broadcast %eq3A_382 : f32 to vector<16xf32>
      %eq3A_384 = arith.cmpf oeq, %min3A_218, %eq3A_383 : vector<16xf32>
      %eq3A_385 = arith.constant 3.000000e+00 : f32
      %eq3A_386 = vector.broadcast %eq3A_385 : f32 to vector<16xf32>
      %eq3A_387 = arith.cmpf oeq, %min3A_328, %eq3A_386 : vector<16xf32>
      %or3A_388 = arith.ori %eq3A_384, %eq3A_387 : vector<16xi1>
      %div3A_389 = arith.divf %select_n3A_142, %add3A_332 : vector<16xf32>
      %jit3A_390 = arith.constant 0.000000e+00 : f32
      %broadcast_in_dim3A_391 = vector.broadcast %jit3A_390 : f32 to vector<16xf32>
      %select_n3A_392 = arith.select %or3A_388, %div3A_389, %broadcast_in_dim3A_391 : vector<16xi1>, vector<16xf32>
      %swap3A_393 = arith.constant 3 : i32
      %swap3A_394 = arith.index_cast %swap3A_393 : i32 to index
      %swap3A_395 = arith.index_cast %add3A_56 : i32 to index
      %swap3A_396 = tpu.vector_load %arg6[%swap3A_394, %swap3A_395] {strides = array<i32>} : memref<8x512xf32, #tpu.memory_space<vmem>>, vector<1x16xf32>,
      %swap3A_397 = vector.shape_cast %swap3A_396 : vector<1x16xf32> to vector<16xf32>
      %swap3A_398 = vector.shape_cast %select_n3A_392 : vector<16xf32> to vector<1x16xf32>
      tpu.vector_store %arg6[%swap3A_394, %swap3A_395], %swap3A_398 {strides = array<i32>} : memref<8x512xf32, #tpu.memory_space<vmem>>, vector<1x16xf32>,
      %eq3A_399 = arith.constant 4.000000e+00 : f32
      %eq3A_400 = vector.broadcast %eq3A_399 : f32 to vector<16xf32>
      %eq3A_401 = arith.cmpf oeq, %min3A_218, %eq3A_400 : vector<16xf32>
      %eq3A_402 = arith.constant 4.000000e+00 : f32
      %eq3A_403 = vector.broadcast %eq3A_402 : f32 to vector<16xf32>
      %eq3A_404 = arith.cmpf oeq, %min3A_328, %eq3A_403 : vector<16xf32>
      %or3A_405 = arith.ori %eq3A_401, %eq3A_404 : vector<16xi1>
      %div3A_406 = arith.divf %select_n3A_146, %add3A_332 : vector<16xf32>
      %jit3A_407 = arith.constant 0.000000e+00 : f32
      %broadcast_in_dim3A_408 = vector.broadcast %jit3A_407 : f32 to vector<16xf32>
      %select_n3A_409 = arith.select %or3A_405, %div3A_406, %broadcast_in_dim3A_408 : vector<16xi1>, vector<16xf32>
      %swap3A_410 = arith.constant 4 : i32
      %swap3A_411 = arith.index_cast %swap3A_410 : i32 to index
      %swap3A_412 = arith.index_cast %add3A_56 : i32 to index
      %swap3A_413 = tpu.vector_load %arg6[%swap3A_411, %swap3A_412] {strides = array<i32>} : memref<8x512xf32, #tpu.memory_space<vmem>>, vector<1x16xf32>,
      %swap3A_414 = vector.shape_cast %swap3A_413 : vector<1x16xf32> to vector<16xf32>
      %swap3A_415 = vector.shape_cast %select_n3A_409 : vector<16xf32> to vector<1x16xf32>
      tpu.vector_store %arg6[%swap3A_411, %swap3A_412], %swap3A_415 {strides = array<i32>} : memref<8x512xf32, #tpu.memory_space<vmem>>, vector<1x16xf32>,
      %eq3A_416 = arith.constant 5.000000e+00 : f32
      %eq3A_417 = vector.broadcast %eq3A_416 : f32 to vector<16xf32>
      %eq3A_418 = arith.cmpf oeq, %min3A_218, %eq3A_417 : vector<16xf32>
      %eq3A_419 = arith.constant 5.000000e+00 : f32
      %eq3A_420 = vector.broadcast %eq3A_419 : f32 to vector<16xf32>
      %eq3A_421 = arith.cmpf oeq, %min3A_328, %eq3A_420 : vector<16xf32>
      %or3A_422 = arith.ori %eq3A_418, %eq3A_421 : vector<16xi1>
      %div3A_423 = arith.divf %select_n3A_150, %add3A_332 : vector<16xf32>
      %jit3A_424 = arith.constant 0.000000e+00 : f32
      %broadcast_in_dim3A_425 = vector.broadcast %jit3A_424 : f32 to vector<16xf32>
      %select_n3A_426 = arith.select %or3A_422, %div3A_423, %broadcast_in_dim3A_425 : vector<16xi1>, vector<16xf32>
      %swap3A_427 = arith.constant 5 : i32
      %swap3A_428 = arith.index_cast %swap3A_427 : i32 to index
      %swap3A_429 = arith.index_cast %add3A_56 : i32 to index
      %swap3A_430 = tpu.vector_load %arg6[%swap3A_428, %swap3A_429] {strides = array<i32>} : memref<8x512xf32, #tpu.memory_space<vmem>>, vector<1x16xf32>,
      %swap3A_431 = vector.shape_cast %swap3A_430 : vector<1x16xf32> to vector<16xf32>
      %swap3A_432 = vector.shape_cast %select_n3A_426 : vector<16xf32> to vector<1x16xf32>
      tpu.vector_store %arg6[%swap3A_428, %swap3A_429], %swap3A_432 {strides = array<i32>} : memref<8x512xf32, #tpu.memory_space<vmem>>, vector<1x16xf32>,
      %eq3A_433 = arith.constant 6.000000e+00 : f32
      %eq3A_434 = vector.broadcast %eq3A_433 : f32 to vector<16xf32>
      %eq3A_435 = arith.cmpf oeq, %min3A_218, %eq3A_434 : vector<16xf32>
      %eq3A_436 = arith.constant 6.000000e+00 : f32
      %eq3A_437 = vector.broadcast %eq3A_436 : f32 to vector<16xf32>
      %eq3A_438 = arith.cmpf oeq, %min3A_328, %eq3A_437 : vector<16xf32>
      %or3A_439 = arith.ori %eq3A_435, %eq3A_438 : vector<16xi1>
      %div3A_440 = arith.divf %select_n3A_154, %add3A_332 : vector<16xf32>
      %jit3A_441 = arith.constant 0.000000e+00 : f32
      %broadcast_in_dim3A_442 = vector.broadcast %jit3A_441 : f32 to vector<16xf32>
      %select_n3A_443 = arith.select %or3A_439, %div3A_440, %broadcast_in_dim3A_442 : vector<16xi1>, vector<16xf32>
      %swap3A_444 = arith.constant 6 : i32
      %swap3A_445 = arith.index_cast %swap3A_444 : i32 to index
      %swap3A_446 = arith.index_cast %add3A_56 : i32 to index
      %swap3A_447 = tpu.vector_load %arg6[%swap3A_445, %swap3A_446] {strides = array<i32>} : memref<8x512xf32, #tpu.memory_space<vmem>>, vector<1x16xf32>,
      %swap3A_448 = vector.shape_cast %swap3A_447 : vector<1x16xf32> to vector<16xf32>
      %swap3A_449 = vector.shape_cast %select_n3A_443 : vector<16xf32> to vector<1x16xf32>
      tpu.vector_store %arg6[%swap3A_445, %swap3A_446], %swap3A_449 {strides = array<i32>} : memref<8x512xf32, #tpu.memory_space<vmem>>, vector<1x16xf32>,
      %eq3A_450 = arith.constant 7.000000e+00 : f32
      %eq3A_451 = vector.broadcast %eq3A_450 : f32 to vector<16xf32>
      %eq3A_452 = arith.cmpf oeq, %min3A_218, %eq3A_451 : vector<16xf32>
      %eq3A_453 = arith.constant 7.000000e+00 : f32
      %eq3A_454 = vector.broadcast %eq3A_453 : f32 to vector<16xf32>
      %eq3A_455 = arith.cmpf oeq, %min3A_328, %eq3A_454 : vector<16xf32>
      %or3A_456 = arith.ori %eq3A_452, %eq3A_455 : vector<16xi1>
      %div3A_457 = arith.divf %select_n3A_158, %add3A_332 : vector<16xf32>
      %jit3A_458 = arith.constant 0.000000e+00 : f32
      %broadcast_in_dim3A_459 = vector.broadcast %jit3A_458 : f32 to vector<16xf32>
      %select_n3A_460 = arith.select %or3A_456, %div3A_457, %broadcast_in_dim3A_459 : vector<16xi1>, vector<16xf32>
      %swap3A_461 = arith.constant 7 : i32
      %swap3A_462 = arith.index_cast %swap3A_461 : i32 to index
      %swap3A_463 = arith.index_cast %add3A_56 : i32 to index
      %swap3A_464 = tpu.vector_load %arg6[%swap3A_462, %swap3A_463] {strides = array<i32>} : memref<8x512xf32, #tpu.memory_space<vmem>>, vector<1x16xf32>,
      %swap3A_465 = vector.shape_cast %swap3A_464 : vector<1x16xf32> to vector<16xf32>
      %swap3A_466 = vector.shape_cast %select_n3A_460 : vector<16xf32> to vector<1x16xf32>
      tpu.vector_store %arg6[%swap3A_462, %swap3A_463], %swap3A_466 {strides = array<i32>} : memref<8x512xf32, #tpu.memory_space<vmem>>, vector<1x16xf32>,
    }
    %scan3A_51 = arith.constant 32 : i32
    "tpu.region"() ({
      %run_scoped3A = tpu.sem_alloc : memref<!tpu.dma_semaphore, #tpu.memory_space<semaphore_mem>>
      %dma_start3A_52 = arith.constant 0 : i32
      %dma_start3A_53 = tpu.memref_slice %arg4[%dma_start3A_52, %mul3A_2] : memref<8x16384xf32, #tpu.memory_space<hbm>> -> memref<8x512xf32, #tpu.memory_space<hbm>>
      %dma_start3A_54 = arith.constant 0 : i32
      %dma_start3A_55 = tpu.memref_slice %arg4[%dma_start3A_54, %mul3A_2] : memref<8x16384xf32, #tpu.memory_space<hbm>> -> memref<8x512xf32, #tpu.memory_space<hbm>>
      tpu.enqueue_dma source(%arg6 : memref<8x512xf32, #tpu.memory_space<vmem>>) target(%dma_start3A_55 : memref<8x512xf32, #tpu.memory_space<hbm>>) target_semaphore(%run_scoped3A : memref<!tpu.dma_semaphore, #tpu.memory_space<semaphore_mem>>)
      %dma_wait3A_56 = arith.constant 0 : i32
      %dma_wait3A_57 = tpu.memref_slice %arg4[%dma_wait3A_56, %mul3A_2] : memref<8x16384xf32, #tpu.memory_space<hbm>> -> memref<8x512xf32, #tpu.memory_space<hbm>>
      %dma_wait3A_58 = arith.constant 0 : i32
      %dma_wait3A_59 = tpu.memref_slice %arg4[%dma_wait3A_58, %mul3A_2] : memref<8x16384xf32, #tpu.memory_space<hbm>> -> memref<8x512xf32, #tpu.memory_space<hbm>>
      tpu.wait_dma2 semaphore(%run_scoped3A : memref<!tpu.dma_semaphore, #tpu.memory_space<semaphore_mem>>) src(%arg6 : memref<8x512xf32, #tpu.memory_space<vmem>>) dst(%dma_wait3A_59 : memref<8x512xf32, #tpu.memory_space<hbm>>)
      tpu.yield
    }) : () -> ()
    return
  }
}

module attributes {stable_mosaic.version = 14 : i64} {
  func.func @_mlp_block(%arg0: i32, %arg1: memref<1024x4096xf32, #tpu.memory_space<vmem>>, %arg2: memref<4096x2048xbf16, #tpu.memory_space<vmem>>, %arg3: memref<1x2048xf32, #tpu.memory_space<vmem>>, %arg4: memref<2048x8xbf16, #tpu.memory_space<vmem>>, %arg5: memref<1x8xf32, #tpu.memory_space<vmem>>, %arg6: memref<1x8xf32, #tpu.memory_space<vmem>>, %arg7: memref<1x8xf32, #tpu.memory_space<vmem>>, %arg8: memref<8x1024xf32, #tpu.memory_space<vmem>>, %arg9: memref<1x8xf32, #tpu.memory_space<vmem>>) attributes {dimension_semantics = [#tpu.dimension_semantics<arbitrary>], iteration_bounds = array<i64: 16>, scalar_prefetch = 0 : i64, scratch_operands = 0 : i64, tpu.core_type = #tpu.core_type<tc>, window_params = [{transform_indices = @transform_0, window_bounds = array<i64: 1024, 4096>}, {pipeline_mode = #tpu.pipeline_mode<synchronous>, transform_indices = @transform_1, window_bounds = array<i64: 4096, 2048>}, {pipeline_mode = #tpu.pipeline_mode<synchronous>, transform_indices = @transform_2, window_bounds = array<i64: 1, 2048>}, {pipeline_mode = #tpu.pipeline_mode<synchronous>, transform_indices = @transform_3, window_bounds = array<i64: 2048, 8>}, {pipeline_mode = #tpu.pipeline_mode<synchronous>, transform_indices = @transform_4, window_bounds = array<i64: 1, 8>}, {pipeline_mode = #tpu.pipeline_mode<synchronous>, transform_indices = @transform_5, window_bounds = array<i64: 1, 8>}, {pipeline_mode = #tpu.pipeline_mode<synchronous>, transform_indices = @transform_6, window_bounds = array<i64: 1, 8>}, {transform_indices = @transform_7, window_bounds = array<i64: 8, 1024>}, {pipeline_mode = #tpu.pipeline_mode<synchronous>, transform_indices = @transform_8, window_bounds = array<i64: 1, 8>}]} {
    %get3A = arith.constant 0 : index
    %get3A_0 = arith.constant 0 : index
    %get3A_1 = vector.load %arg1[%get3A, %get3A_0] : memref<1024x4096xf32, #tpu.memory_space<vmem>>, vector<1024x4096xf32>
    %convert_element_type3A = arith.truncf %get3A_1 : vector<1024x4096xf32> to vector<1024x4096xbf16>
    %get3A_2 = arith.constant 0 : index
    %get3A_3 = arith.constant 0 : index
    %get3A_4 = vector.load %arg2[%get3A_2, %get3A_3] : memref<4096x2048xbf16, #tpu.memory_space<vmem>>, vector<4096x2048xbf16>
    %dot_general3A = arith.constant dense<0.000000e+00> : vector<1024x2048xf32>
    %dot_general3A_5 = tpu.matmul %convert_element_type3A, %get3A_4, %dot_general3A {dimension_numbers = #tpu.dot_dimension_numbers<[1], [0], [0], [1], [0, 0, 1, 1], [], []>, transpose_lhs_hint = false} : vector<1024x4096xbf16>, vector<4096x2048xbf16>, vector<1024x2048xf32> -> vector<1024x2048xf32>
    %get3A_6 = arith.constant 0 : index
    %get3A_7 = arith.constant 0 : index
    %get3A_8 = vector.load %arg3[%get3A_6, %get3A_7] : memref<1x2048xf32, #tpu.memory_space<vmem>>, vector<1x2048xf32>
    %add3A = vector.broadcast %get3A_8 : vector<1x2048xf32> to vector<1024x2048xf32>
    %add3A_9 = arith.addf %dot_general3A_5, %add3A : vector<1024x2048xf32>
    %max3A = arith.constant 0.000000e+00 : f32
    %max3A_10 = vector.broadcast %max3A : f32 to vector<1024x2048xf32>
    %max3A_11 = arith.maximumf %add3A_9, %max3A_10 : vector<1024x2048xf32>
    %convert_element_type3A_12 = arith.truncf %max3A_11 : vector<1024x2048xf32> to vector<1024x2048xbf16>
    %get3A_13 = arith.constant 0 : index
    %get3A_14 = arith.constant 0 : index
    %get3A_15 = vector.load %arg4[%get3A_13, %get3A_14] : memref<2048x8xbf16, #tpu.memory_space<vmem>>, vector<2048x8xbf16>
    %dot_general3A_16 = arith.constant dense<0.000000e+00> : vector<1024x8xf32>
    %dot_general3A_17 = tpu.matmul %convert_element_type3A_12, %get3A_15, %dot_general3A_16 {dimension_numbers = #tpu.dot_dimension_numbers<[1], [0], [0], [1], [0, 0, 1, 1], [], []>, transpose_lhs_hint = false} : vector<1024x2048xbf16>, vector<2048x8xbf16>, vector<1024x8xf32> -> vector<1024x8xf32>
    %get3A_18 = arith.constant 0 : index
    %get3A_19 = arith.constant 0 : index
    %get3A_20 = vector.load %arg5[%get3A_18, %get3A_19] : memref<1x8xf32, #tpu.memory_space<vmem>>, vector<1x8xf32>
    %add3A_21 = vector.broadcast %get3A_20 : vector<1x8xf32> to vector<1024x8xf32>
    %add3A_22 = arith.addf %dot_general3A_17, %add3A_21 : vector<1024x8xf32>
    %div3A = arith.constant 1.000000e+00 : f32
    %div3A_23 = vector.broadcast %div3A : f32 to vector<1024x8xf32>
    %div3A_24 = arith.divf %add3A_22, %div3A_23 : vector<1024x8xf32>
    %get3A_25 = arith.constant 0 : index
    %get3A_26 = arith.constant 0 : index
    %get3A_27 = vector.load %arg6[%get3A_25, %get3A_26] : memref<1x8xf32, #tpu.memory_space<vmem>>, vector<1x8xf32>
    %reduce_sum3A = vector.shape_cast %get3A_27 : vector<1x8xf32> to vector<1x1x8xf32>
    %reduce_sum3A_28 = arith.constant dense<0.000000e+00> : vector<1xf32>
    %reduce_sum3A_29 = vector.multi_reduction <add>, %reduce_sum3A, %reduce_sum3A_28 [1, 2] : vector<1x1x8xf32> to vector<1xf32>
    %reduce_sum3A_30 = vector.shape_cast %reduce_sum3A_29 : vector<1xf32> to vector<1x1x1xf32>
    %reduce_sum3A_31 = vector.extract %reduce_sum3A_30[0, 0, 0] : f32 from vector<1x1x1xf32>
    %div3A_32 = vector.broadcast %reduce_sum3A_31 : f32 to vector<1x8xf32>
    %div3A_33 = arith.divf %get3A_27, %div3A_32 : vector<1x8xf32>
    %get3A_34 = arith.constant 0 : index
    %get3A_35 = arith.constant 0 : index
    %get3A_36 = vector.load %arg7[%get3A_34, %get3A_35] : memref<1x8xf32, #tpu.memory_space<vmem>>, vector<1x8xf32>
    %reduce_max3A = vector.shape_cast %get3A_36 : vector<1x8xf32> to vector<1x1x8xf32>
    %reduce_max3A_37 = arith.constant dense<0xFF800000> : vector<1xf32>
    %reduce_max3A_38 = vector.multi_reduction <maximumf>, %reduce_max3A, %reduce_max3A_37 [1, 2] : vector<1x1x8xf32> to vector<1xf32>
    %reduce_max3A_39 = vector.shape_cast %reduce_max3A_38 : vector<1xf32> to vector<1x1x1xf32>
    %reduce_max3A_40 = vector.extract %reduce_max3A_39[0, 0, 0] : f32 from vector<1x1x1xf32>
    %sub3A = vector.broadcast %reduce_max3A_40 : f32 to vector<1x8xf32>
    %sub3A_41 = arith.subf %get3A_36, %sub3A : vector<1x8xf32>
    %exp3A = math.exp %sub3A_41 : vector<1x8xf32>
    %reduce_sum3A_42 = vector.shape_cast %exp3A : vector<1x8xf32> to vector<1x1x8xf32>
    %reduce_sum3A_43 = arith.constant dense<0.000000e+00> : vector<1xf32>
    %reduce_sum3A_44 = vector.multi_reduction <add>, %reduce_sum3A_42, %reduce_sum3A_43 [1, 2] : vector<1x1x8xf32> to vector<1xf32>
    %reduce_sum3A_45 = vector.shape_cast %reduce_sum3A_44 : vector<1xf32> to vector<1x1x1xf32>
    %reduce_sum3A_46 = vector.extract %reduce_sum3A_45[0, 0, 0] : f32 from vector<1x1x1xf32>
    %div3A_47 = vector.broadcast %reduce_sum3A_46 : f32 to vector<1x8xf32>
    %div3A_48 = arith.divf %exp3A, %div3A_47 : vector<1x8xf32>
    %gt3A = arith.constant 0.00999999977 : f32
    %gt3A_49 = vector.broadcast %gt3A : f32 to vector<1x8xf32>
    %gt3A_50 = arith.cmpf ogt, %div3A_33, %gt3A_49 : vector<1x8xf32>
    %gt3A_51 = arith.constant 5.000000e-02 : f32
    %gt3A_52 = vector.broadcast %gt3A_51 : f32 to vector<1x8xf32>
    %gt3A_53 = arith.cmpf ogt, %div3A_48, %gt3A_52 : vector<1x8xf32>
    %and3A = arith.andi %gt3A_50, %gt3A_53 : vector<1x8xi1>
    %jit3A = arith.constant 1.000000e+00 : f32
    %jit3A_54 = arith.constant 0.000000e+00 : f32
    %broadcast_in_dim3A = vector.broadcast %jit3A : f32 to vector<1x8xf32>
    %broadcast_in_dim3A_55 = vector.broadcast %jit3A_54 : f32 to vector<1x8xf32>
    %select_n3A = arith.select %and3A, %broadcast_in_dim3A, %broadcast_in_dim3A_55 : vector<1x8xi1>, vector<1x8xf32>
    %swap3A = arith.constant 0 : index
    %swap3A_56 = arith.constant 0 : index
    %swap3A_57 = vector.load %arg9[%swap3A, %swap3A_56] : memref<1x8xf32, #tpu.memory_space<vmem>>, vector<1x8xf32>
    tpu.vector_store %arg9[%swap3A, %swap3A_56], %select_n3A {strides = array<i32>} : memref<1x8xf32, #tpu.memory_space<vmem>>, vector<1x8xf32>,
    %gt3A_58 = arith.constant 5.000000e-01 : f32
    %gt3A_59 = vector.broadcast %gt3A_58 : f32 to vector<1x8xf32>
    %gt3A_60 = arith.cmpf ogt, %select_n3A, %gt3A_59 : vector<1x8xf32>
    %jit3A_61 = arith.constant 0xFF800000 : f32
    %broadcast_in_dim3A_62 = vector.shape_cast %gt3A_60 : vector<1x8xi1> to vector<1x8xi1>
    %broadcast_in_dim3A_63 = vector.broadcast %broadcast_in_dim3A_62 : vector<1x8xi1> to vector<1024x8xi1>
    %broadcast_in_dim3A_64 = vector.broadcast %jit3A_61 : f32 to vector<1024x8xf32>
    %select_n3A_65 = arith.select %broadcast_in_dim3A_63, %div3A_24, %broadcast_in_dim3A_64 : vector<1024x8xi1>, vector<1024x8xf32>
    %transpose3A = tpu.transpose %select_n3A_65, [1, 0] : vector<1024x8xf32> -> vector<8x1024xf32>
    %swap3A_66 = arith.constant 0 : index
    %swap3A_67 = arith.constant 0 : index
    %swap3A_68 = vector.load %arg8[%swap3A_66, %swap3A_67] : memref<8x1024xf32, #tpu.memory_space<vmem>>, vector<8x1024xf32>
    tpu.vector_store %arg8[%swap3A_66, %swap3A_67], %transpose3A {strides = array<i32>} : memref<8x1024xf32, #tpu.memory_space<vmem>>, vector<8x1024xf32>,
    return
  }
  func.func @transform_0(%arg0: i32) -> (i32, i32) {
    %c0_i32 = arith.constant 0 : i32
    %c0_i32_0 = arith.constant 0 : i32
    return %arg0, %c0_i32 : i32, i32
  }
  func.func @transform_1(%arg0: i32) -> (i32, i32) {
    %c0_i32 = arith.constant 0 : i32
    %c0_i32_0 = arith.constant 0 : i32
    %c0_i32_1 = arith.constant 0 : i32
    return %c0_i32, %c0_i32_0 : i32, i32
  }
  func.func @transform_2(%arg0: i32) -> (i32, i32) {
    %c0_i32 = arith.constant 0 : i32
    %c0_i32_0 = arith.constant 0 : i32
    %c0_i32_1 = arith.constant 0 : i32
    return %c0_i32, %c0_i32_0 : i32, i32
  }
  func.func @transform_3(%arg0: i32) -> (i32, i32) {
    %c0_i32 = arith.constant 0 : i32
    %c0_i32_0 = arith.constant 0 : i32
    %c0_i32_1 = arith.constant 0 : i32
    return %c0_i32, %c0_i32_0 : i32, i32
  }
  func.func @transform_4(%arg0: i32) -> (i32, i32) {
    %c0_i32 = arith.constant 0 : i32
    %c0_i32_0 = arith.constant 0 : i32
    %c0_i32_1 = arith.constant 0 : i32
    return %c0_i32, %c0_i32_0 : i32, i32
  }
  func.func @transform_5(%arg0: i32) -> (i32, i32) {
    %c0_i32 = arith.constant 0 : i32
    %c0_i32_0 = arith.constant 0 : i32
    %c0_i32_1 = arith.constant 0 : i32
    return %c0_i32, %c0_i32_0 : i32, i32
  }
  func.func @transform_6(%arg0: i32) -> (i32, i32) {
    %c0_i32 = arith.constant 0 : i32
    %c0_i32_0 = arith.constant 0 : i32
    %c0_i32_1 = arith.constant 0 : i32
    return %c0_i32, %c0_i32_0 : i32, i32
  }
  func.func @transform_7(%arg0: i32) -> (i32, i32) {
    %c0_i32 = arith.constant 0 : i32
    %c0_i32_0 = arith.constant 0 : i32
    return %c0_i32, %arg0 : i32, i32
  }
  func.func @transform_8(%arg0: i32) -> (i32, i32) {
    %c0_i32 = arith.constant 0 : i32
    %c0_i32_0 = arith.constant 0 : i32
    %c0_i32_1 = arith.constant 0 : i32
    return %c0_i32, %c0_i32_0 : i32, i32
  }
}

</mosaic_0001>

<sc_bundles>
// kernel: kernel.4.cloned.1.call-start
scs
__scs_entry_jumppad:
0x0: {  	(pc) =	sbr.rel $0x88, $3  }
0x1: {  	(tag) =	ssettag $0x0;
	lr =	simm.s32 $0x1  }
0x2: {  	[smem:$0x3F99] =	sst lr;
	_ =	strace $0xD0000000  }
0x3: {  	_ = 	snop  }
0x4: {  	_ = 	snop  }
0x5: {  	_ = 	snop  }
0x6: {  	_ = 	snop  }
0x7: {  	_ = 	snop  }
__scs_overlays_trampoline_lowered:
0x8: {  	[smem:$0x3FA8] =	sst s0  }
0x9: {  	[smem:$0x3FA9] =	sst s1  }
0xa: {  	[smem:$0x3FAA] =	sst s2  }
0xb: {  	[smem:$0x3FAB] =	sst s3  }
0xc: {  	[smem:$0x3FAC] =	sst s4  }
0xd: {  	[smem:$0x3FAD] =	sst s5  }
0xe: {  	[smem:$0x3FAE] =	sst s6  }
0xf: {  	[smem:$0x3FAF] =	sst s7  }
0x10: {  	[smem:$0x3FB0] =	sst s8  }
0x11: {  	[smem:$0x3FB1] =	sst s9;
	s0 =	simm.s32 @!p0 $0x0  }
0x12: {  	s1 =	sld [smem:$0x3F97];
	s0 =	simm.s32 @p0 $0x1  }
0x13: {  	[smem:$0x3FB2] =	sst s0;
	s0 =	simm.s32 @!p1 $0x0  }
0x14: {  	s2 =	sld [smem:$0x3F96];
	s0 =	simm.s32 @p1 $0x1  }
0x15: {  	[smem:$0x3FB3] =	sst s0;
	s0 =	simm.s32 @!p2 $0x0  }
0x16: {  	s3 =	sld [smem:$0x3FDB];
	s0 =	simm.s32 @p2 $0x1  }
0x17: {  	s4 =	simm.s32 $0x1BF5;
	[smem:$0x3FB5] =	sst s0  }
0x18: {  	s0 =	sld [smem:$0x3F98];
	_ =	swait.ge [sflag:s4], $0x0  }
0x19: {  	s7 =	sld [smem:$0x3F99]  }
0x1a: {  	s8 =	sadd.s32 $0xFFFFE003, lr  }
0x1b: {  	s9 =	sadd.s32 $0xFFFFFEF7, lr;
	s5 =	simm.s32 $0xFFFFFFFF;
	p2 =	slt.u32 s8, $0xFFFFF086  }
0x1c: {  	p1 =	slt.u32 s9, $0xF7A;
	s5 =	simm.s32 @!p2 $0x0  }
0x1d: {  	s5 =	simm.s32 @p1 $0x1;
	p0 =	seq.s32 s7, s2  }
0x1e: {  	s7 =	smul.u32 @!p0 $0xF7A, s2;
	p2 =	seq.s32 @!p0 s5, $0x0  }
0x1f: {  	s9 =	smul.u32 $0xF7A, s1;
	s8 =	simm.s32 @!p0 $0x1BF5;
	p2 =	por !p2, p0  }
0x20: {  	[sflag:s8] =	ssyncset.s32 @!p0 $0xFFFFF086;
	s6 =	sadd.s32 @!p0 s3, s7;
	s7 =	simm.s32 @!p0 $0x108  }
0x21: {  	s3 =	sadd.s32 s3, s9;
	s6 =	sadd.s32 @!p0 $0x88, s6;
	s7 =	simm.s32 @p2 $0x1082  }
0x22: {  	[simem:s7], [sflag:s8] =	dma.local @!p0 [hbm:s6], $0xF7A  }
0x23: {  	s9 =	sor.u32 $0xD0000000, s2;
	s6 =	simm.s32 $0x108;
	_ =	swait.ge @!p0 [sflag:s8], $0x0  }
0x24: {  	s3 =	sadd.s32 $0x88, s3;
	s6 =	simm.s32 @!p1 $0x1082;
	[sflag:s4] =	ssyncset.s32 $0xFFFFF086  }
0x25: {  	[simem:s6], [sflag:s4] =	dma.local [hbm:s3], $0xF7A  }
0x26: {  	[smem:$0x3F99] =	sst s1;
	(tag) =	ssettag s2;
	_ =	strace s9  }
0x27: {  	s1 =	sld [smem:$0x3FA9]  }
0x28: {  	s2 =	sld [smem:$0x3FAA]  }
0x29: {  	s4 =	sld [smem:$0x3FAC]  }
0x2a: {  	p0 =	seq.s32 s5, $0x0;
	s5 =	sld [smem:$0x3FAD]  }
0x2b: {  	s6 =	sld [smem:$0x3FAE]  }
0x2c: {  	s7 =	sld [smem:$0x3FAF]  }
0x2d: {  	s3 =	simm.s32 $0x108;
	s8 =	sld [smem:$0x3FB0]  }
0x2e: {  	s3 =	simm.s32 @!p0 $0x1082;
	s9 =	sld [smem:$0x3FB1]  }
0x2f: {  	lr =	sadd.s32 s0, s3;
	s0 =	sld [smem:$0x3FA8]  }
0x30: {  	s3 =	sld [smem:$0x3FAB]  }
0x31: {  	[smem:$0x3FB4] =	sst s10  }
0x32: {  	s10 =	sld [smem:$0x3FB2];
	_ =	sdelay $0x3  }
0x33: {  	p0 =	seq.s32 s10, $0x1;
	s10 =	sld [smem:$0x3FB4];
	_ =	sdelay $0x3  }
0x34: {  	[smem:$0x3FB4] =	sst s10  }
0x35: {  	s10 =	sld [smem:$0x3FB3];
	_ =	sdelay $0x3  }
0x36: {  	p1 =	seq.s32 s10, $0x1;
	s10 =	sld [smem:$0x3FB4];
	_ =	sdelay $0x3  }
0x37: {  	[smem:$0x3FB4] =	sst s10  }
0x38: {  	s10 =	sld [smem:$0x3FB5]  }
0x39: {  	_ = 	snop;
	(pc) =	sbr.ind lr, $3  }
0x3a: {  	_ = 	snop  }
0x3b: {  	_ = 	snop  }
0x3c: {  	p2 =	seq.s32 s10, $0x1;
	s10 =	sld [smem:$0x3FB4]  }
0x3d: {  	_ =	shalt  }
0x3e: {  	_ =	shalt  }
0x3f: {  	_ =	shalt  }
0x40: {  	_ =	shalt  }
0x41: {  	_ =	shalt  }
0x42: {  	_ =	shalt  }
0x43: {  	_ =	shalt  }
0x44: {  	_ =	shalt  }
0x45: {  	_ =	shalt  }
0x46: {  	_ =	shalt  }
0x47: {  	_ =	shalt  }
0x48: {  	_ =	shalt  }
0x49: {  	_ =	shalt  }
0x4a: {  	_ =	shalt  }
0x4b: {  	_ =	shalt  }
0x4c: {  	_ =	shalt  }
0x4d: {  	_ =	shalt  }
0x4e: {  	_ =	shalt  }
0x4f: {  	_ =	shalt  }
0x50: {  	_ =	shalt  }
0x51: {  	_ =	shalt  }
0x52: {  	_ =	shalt  }
0x53: {  	_ =	shalt  }
0x54: {  	_ =	shalt  }
0x55: {  	_ =	shalt  }
0x56: {  	_ =	shalt  }
0x57: {  	_ =	shalt  }
0x58: {  	_ =	shalt  }
0x59: {  	_ =	shalt  }
0x5a: {  	_ =	shalt  }
0x5b: {  	_ =	shalt  }
0x5c: {  	_ =	shalt  }
0x5d: {  	_ =	shalt  }
0x5e: {  	_ =	shalt  }
0x5f: {  	_ =	shalt  }
0x60: {  	_ =	shalt  }
0x61: {  	_ =	shalt  }
0x62: {  	_ =	shalt  }
0x63: {  	_ =	shalt  }
0x64: {  	_ =	shalt  }
0x65: {  	_ =	shalt  }
0x66: {  	_ =	shalt  }
0x67: {  	_ =	shalt  }
0x68: {  	_ =	shalt  }
0x69: {  	_ =	shalt  }
0x6a: {  	_ =	shalt  }
0x6b: {  	_ =	shalt  }
0x6c: {  	_ =	shalt  }
0x6d: {  	_ =	shalt  }
0x6e: {  	_ =	shalt  }
0x6f: {  	_ =	shalt  }
0x70: {  	_ =	shalt  }
0x71: {  	_ =	shalt  }
0x72: {  	_ =	shalt  }
0x73: {  	_ =	shalt  }
0x74: {  	_ =	shalt  }
0x75: {  	_ =	shalt  }
0x76: {  	_ =	shalt  }
0x77: {  	_ =	shalt  }
0x78: {  	_ =	shalt  }
0x79: {  	_ =	shalt  }
0x7a: {  	_ =	shalt  }
0x7b: {  	_ =	shalt  }
0x7c: {  	_ =	shalt  }
0x7d: {  	_ =	shalt  }
0x7e: {  	_ =	shalt  }
0x7f: {  	_ =	shalt  }
0x80: {  	_ =	shalt  }
0x81: {  	_ =	shalt  }
0x82: {  	_ =	shalt  }
0x83: {  	_ =	shalt  }
0x84: {  	_ =	shalt  }
0x85: {  	_ =	shalt  }
0x86: {  	_ =	shalt  }
0x87: {  	_ =	shalt  }
.Lfunc_end0:
.L_simem_size_0:
called_computation_lowered:
.L_overlay_start_0:
0x88: {  	s2 =	sld [smem:$0x3FD9]  }
0x89: {  	s3 =	sld [smem:$0x3FFE];
	_ =	sdelay $0x1  }
0x8a: {  	s1 =	srdreg.scid  }
0x8b: {  	s0 =	sand.u32 $0x1, s1  }
0x8c: {  	s14 =	sshll.u32 s0, $0xA;
	s2 =	sadd.s32 s3, s2  }
0x8d: {  	s2 =	sadd.s32 s2, s14  }
0x8e: {  	[smem:$0x3FC0] =	sst s2  }
0x8f: {  	_ = 	snop  }
0x90: {  	s2 =	sld [smem:$0x3FD0];
	_ =	sdelay $0x2  }
0x91: {  	s15 =	simm.s32 $0xA;
	s4 =	simm.s32 $0x10  }
0x92: {  	[smem:s4], [sflag:s15] =	dma.local [hbm:s2], $0x1  }
0x93: {  	_ =	swait.eq [sflag:s15], $0x1  }
0x94: {  	[sflag:s15] =	ssyncset.done $0x0  }
0x95: {  	[sflag:s15] =	ssyncadd.s32 $0xFFFFFFFF  }
0x96: {  	s16 =	sld [smem:$0x10];
	(tm) =	ssettm $0x1  }
0x97: {  	s17 =	sld [smem:$0x3FFB];
	_ =	sdelay $0x3  }
0x98: {  	_ =	strace s17  }
0x99: {  	s3 =	sld [smem:$0x3FFC];
	_ =	sdelay $0x3  }
0x9a: {  	_ =	strace s3  }
0x9b: {  	s3 =	sld [smem:$0x3FFD];
	_ =	sdelay $0x3  }
0x9c: {  	_ =	strace s3  }
0x9d: {  	_ =	strace $0x8FFFFFFF  }
0x9e: {  	s18 =	sld [smem:$0x3FDB];
	_ =	sdelay $0x1  }
0x9f: {  	s19 =	simm.s32 $_scs_section_size  }
0xa0: {  	s5 =	simm.s32 $_size__tile_overlayer_lowered;
	s6 =	simm.s32 $_tile_overlayer_lowered  }
0xa1: {  	s22 =	simm.s32 $0x1BFF;
	s21 =	sshll.u32 s6, $0x1;
	s3 =	sadd.s32 s19, s18  }
0xa2: {  	s7 =	simm.s32 $0x0;
	s20 =	sshll.u32 s5, $0x1;
	s5 =	sadd.s32 s21, s3  }
0xa3: {  	[timem:s7], [sflag:s22] =	dma.local [hbm:s5], s20  }
0xa4: {  	_ =	swait.ge [sflag:s22], s20  }
0xa5: {  	s4 =	ssub.s32 $0x0, s20;
	[sflag:s22] =	ssyncset.done $0x0  }
0xa6: {  	[sflag:s22] =	ssyncadd.s32 s4;
	_ =	sdelay $0x1  }
0xa7: {  	s23 =	simm.s32 $0x1B8B  }
0xa8: {  	_ =	swait.ge [sflag:s23], $0x1  }
0xa9: {  	[sflag:s23] =	ssyncset.done $0x0  }
0xaa: {  	s25 =	simm.s32 $0x1B8E;
	s24 =	sld [smem:$0x3FFE];
	[sflag:s23] =	ssyncadd.s32 $0xFFFFFFFF  }
0xab: {  	s26 =	simm.s32 $execute0_lowered;
	[smem:$0x3FD2] =	sst s25  }
0xac: {  	s5 =	sshll.u32 s26, $0x1;
	_ =	strace $0x80000046;
	[dreg:$0x1] =	wrdreg $0xFFFFFFFF  }
0xad: {  	s28 =	simm.s32 $_size_execute0_lowered;
	s3 =	sadd.s32 s3, s5;
	[dreg:$0x0] =	wrdreg $0x0  }
0xae: {  	s5 =	sshll.u32 s28, $0x1;
	[dreg:$0x2] =	wrdreg s3  }
0xaf: {  	[dreg:$0x3] =	wrdreg s5  }
0xb0: {  	[dreg:$0x4] =	wrdreg $0xC0  }
0xb1: {  	_ =	task [dreg:s7], $0x5FFFF  }
0xb2: {  	[dreg:$0x1] =	wrdreg $0xFFFFFFFF  }
0xb3: {  	[dreg:$0x0] =	wrdreg $0x60  }
0xb4: {  	[dreg:$0x2] =	wrdreg s24  }
0xb5: {  	[dreg:$0x3] =	wrdreg s16  }
0xb6: {  	[dreg:$0x4] =	wrdreg $0x9  }
0xb7: {  	_ =	task.clear_ibuf [dreg:s7], $0x5FFFF;
	_ =	strace $0x90000046  }
0xb8: {  	s29 =	simm.s32 $0x9;
	_ =	strace $0x80000048  }
0xb9: {  	_ =	swait.ge [sflag:s29], $0x1  }
0xba: {  	[sflag:s29] =	ssyncadd.s32 $0xFFFFFFFF  }
0xbb: {  	_ =	strace $0x90000048  }
0xbc: {  	_ =	sfence  }
0xbd: {  	s30 =	sld [smem:$0x0];
	_ =	sdelay $0x2  }
0xbe: {  	s31 =	sshll.u32 s1, $0xD;
	s1 =	sshrl.u32 s1, $0x2  }
0xbf: {  	s3 =	sand.u32 $0x4000, s31;
	s1 =	sadd.s32 s1, s30  }
0xc0: {  	s0 =	sor.u32 s3, s0;
	s1 =	sshll.u32 s1, $0x11  }
0xc1: {  	s0 =	sor.u32 s1, s0  }
0xc2: {  	s0 =	sadd.s32 $0x8F2B, s0  }
0xc3: {  	[sflag:s0] =	ssyncadd.remote.s32 $0x1  }
0xc4: {  	_ =	sfence.sel $0xFFFF  }
0xc5: {  	[dreg:$0x0] =	wrdreg $0xFFFFFFFF;
	(pc) =	sbr.abs _section_cstart, $3  }
0xc6: {  	[dreg:$0x1] =	wrdreg $0xFFFFFFFF  }
0xc7: {  	_ =	task.clear_ibuf [dreg:s7], $0x2FFFF;
	_ =	strace $0x9FFFFFFF  }
0xc8: {  	(tm) =	ssettm $0x7FFFFFFF  }
0xc9: {  	_ =	shalt  }
tec
execute0_lowered:
.L_overlay_start_1:
0x0: {  	(tag) =	ssettag $0x1  }
0x1: {  	s3 =	rddreg [dreg:$0x0]  }
0x2: {  	s5 =	rddreg [dreg:$0x1]  }
0x3: {  	s0 =	rddreg [dreg:$0x2];
	s4 =	srdreg.scid  }
0x4: {  	s2 =	simm.s32 $0x0;
	s1 =	stileid.u32;
	s9 =	simm.s32 $0x1  }
0x5: {  	s10 =	simm.s32 $0x1000;
	s11 =	simm.s32 $0x0;
	s4 =	sand.u32 $0x1, s4  }
0x6: {  	[smem:$0x7FF] =	sst s2;
	s6 =	sshll.u32 s1, $0xA;
	s7 =	sshll.u32 s4, $0x9  }
0x7: {  	_ =	strace $0x80000047;
	s4 =	ssub.s32 $0x2, s4;
	s6 =	sor.u32 s7, s6  }
0x8: {  	s8 =	sshrl.u32 s4, $0x1;
	s7 =	sadd.s32 s6, s3;
	s3 =	sadd.s32 $0x800, s3  }
0x9: {  	s8 =	ssub.s32 s4, s8;
	s5 =	sadd.s32 s5, s6;
	s4 =	sadd.s32 $0x80A00, s7  }
0xa: {  	v0 =	vimm.f32 $8.000000000e+00;
	s6 =	smax.u32 s8, $0x1;
	s7 =	simm.s32 $0x2000;
	s8 =	simm.s32 $0x2  }
.LBB2_1:
0xb: {  	[tilespmem:s7], [sflag:$0x2] =	stream.linear.gather [hbm4b:s3+s2], $0x400, $0x38;
	[tilespmem:$0x2400] =	vst v63  }
0xc: {  	_ =	swait.ge [sflag:s8], $0x400  }
0xd: {  	[sflag:s8] =	ssyncset.done $0x0  }
0xe: {  	[sflag:s8] =	ssyncadd.s32 $0xFFFFFC00  }
0xf: {  	[tilespmem:s2], [sflag:$0x1] =	stream.linear.gather [hbm4b:s4+s2], $0x1000, $0x38;
	[tilespmem:$0x2400] =	vst v63  }
0x10: {  	_ =	swait.ge [sflag:s9], $0x1000  }
0x11: {  	s12 =	sand.u32 $0x70, s2;
	s13 =	sand.u32 $0xC00, s2;
	[sflag:s9] =	ssyncset.done $0x0  }
0x12: {  	s12 =	sor.u32 s12, s13;
	[sflag:s9] =	ssyncadd.s32 $0xFFFFF000  }
0x13: {  	v1 =	vld [tilespmem:s12+$0x0]  }
0x14: {  	s13 =	sor.u32 s13, s2;
	v2 =	vld [tilespmem:s12+$0x80]  }
0x15: {  	s14 =	sor.u32 $0x180, s13;
	v3 =	vld [tilespmem:s12+$0x100]  }
0x16: {  	v4 =	vld [tilespmem:s14+$0x0]  }
0x17: {  	v5 =	vld [tilespmem:s12+$0x200]  }
0x18: {  	s31 =	sor.u32 s2, s2;
	v6 =	vld [tilespmem:s12+$0x280]  }
0x19: {  	s13 =	sor.u32 $0x380, s31;
	v7 =	vld [tilespmem:s12+$0x300];
	v8 =	vmax.f32 v1, v2  }
0x1a: {  	v9 =	vld [tilespmem:s13+$0x0];
	v8 =	vmax.f32 v8, v3  }
0x1b: {  	v8 =	vmax.f32 v8, v4  }
0x1c: {  	v8 =	vmax.f32 v8, v5  }
0x1d: {  	v8 =	vmax.f32 v8, v6  }
0x1e: {  	v8 =	vmax.f32 v8, v7  }
0x1f: {  	v8 =	vmax.f32 v8, v9  }
0x20: {  	v1 =	vsub.f32 v1, v8  }
0x21: {  	v2 =	vsub.f32 v2, v8  }
0x22: {  	v4 =	vsub.f32 v4, v8;
	v1 =	vmul.f32 $1.442695020e+00, v1  }
0x23: {  	v3 =	vsub.f32 v3, v8;
	v2 =	vmul.f32 $1.442695020e+00, v2  }
0x24: {  	v4 =	vmul.f32 $1.442695020e+00, v4;
	(erf) = vpow2.f32 v1  }
0x25: {  	v1 =	vmul.f32 $1.442695020e+00, v3;
	(erf) = vpow2.f32 v2  }
0x26: {  	(erf) = vpow2.f32 v4  }
0x27: {  	v2 =	vsub.f32 v5, v8;
	(erf) = vpow2.f32 v1;
	_ =	sdelay $0x1  }
0x28: {  	v1 =	vsub.f32 v6, v8;
	v2 =	vmul.f32 $1.442695020e+00, v2;
	_ =	sdelay $0x1  }
0x29: {  	v3 =	vsub.f32 v7, v8;
	v1 =	vmul.f32 $1.442695020e+00, v1;
	(erf) = vpow2.f32 v2;
	_ =	sdelay $0x1  }
0x2a: {  	v3 =	vmul.f32 $1.442695020e+00, v3;
	v2 =	vsub.f32 v9, v8;
	v6 =	vpop (erf);
	(erf) = vpow2.f32 v1  }
0x2b: {  	v7 =	vpop (erf)  }
0x2c: {  	v1 =	vmul.f32 $1.442695020e+00, v2;
	(erf) = vpow2.f32 v3;
	v2 =	vadd.f32 v7, v6;
	v8 =	vpop (erf)  }
0x2d: {  	v9 =	vpop (erf)  }
0x2e: {  	(erf) = vpow2.f32 v1;
	v2 =	vadd.f32 v2, v9;
	_ =	sdelay $0x1  }
0x2f: {  	v1 =	vadd.f32 v2, v8  }
0x30: {  	v10 =	vpop (erf)  }
0x31: {  	v1 =	vadd.f32 v1, v10  }
0x32: {  	v11 =	vpop (erf)  }
0x33: {  	v1 =	vadd.f32 v1, v11  }
0x34: {  	v12 =	vpop (erf)  }
0x35: {  	v1 =	vadd.f32 v1, v12  }
0x36: {  	v13 =	vpop (erf)  }
0x37: {  	v1 =	vadd.f32 v1, v13;
	_ =	sdelay $0x1  }
0x38: {  	(erf) = vrcp.f32 v1;
	_ =	sdelay $0x5  }
0x39: {  	v3 =	vld [tilespmem:$0x2180]  }
0x3a: {  	v1 =	vld [tilespmem:$0x2000]  }
0x3b: {  	v2 =	vld [tilespmem:$0x2080]  }
0x3c: {  	v4 =	vld [tilespmem:$0x2100];
	v14 =	vpop (erf)  }
0x3d: {  	v15 =	vmul.f32 v14, v6;
	v8 =	vmul.f32 v14, v8  }
0x3e: {  	v5 =	vld [tilespmem:$0x2200];
	v16 =	vmul.f32 v14, v7;
	v9 =	vmul.f32 v14, v9  }
0x3f: {  	v6 =	vld [tilespmem:$0x2280];
	v10 =	vmul.f32 v14, v10;
	v11 =	vmul.f32 v14, v11;
	vm0 =	vgt.f32 v15, v1  }
0x40: {  	v7 =	vld [tilespmem:$0x2300];
	vm1 =	vgt.f32 v8, v3;
	v15 =	vnsel vm0, $0x0, v15;
	vm0 =	vgt.f32 v16, v2  }
0x41: {  	v19 =	vnsel vm1, $0x0, v8;
	v8 =	vld [tilespmem:$0x2380];
	v16 =	vnsel vm0, $0x0, v16;
	vm0 =	vgt.f32 v9, v4  }
0x42: {  	v12 =	vmul.f32 v14, v12;
	v20 =	vnsel vm0, $0x0, v9;
	v9 =	vmax.f32 v15, v16  }
0x43: {  	v13 =	vmul.f32 v14, v13;
	vm1 =	vgt.f32 v10, v5;
	v9 =	vmax.f32 v9, v20  }
0x44: {  	v21 =	vnsel vm1, $0x0, v10;
	vm0 =	vgt.f32 v11, v6;
	v9 =	vmax.f32 v9, v19  }
0x45: {  	v10 =	vnsel vm0, $0x0, v11;
	vm0 =	vgt.f32 v12, v7;
	v9 =	vmax.f32 v9, v21  }
0x46: {  	v11 =	vnsel vm0, $0x0, v12;
	vm0 =	vgt.f32 v13, v8;
	v12 =	vmax.f32 v9, v10  }
0x47: {  	v9 =	vnsel vm0, $0x0, v13;
	v12 =	vmax.f32 v12, v11  }
0x48: {  	v12 =	vmax.f32 v12, v9  }
0x49: {  	vm0 =	veq.f32 v15, v12;
	vm1 =	veq.f32 v16, v12  }
0x4a: {  	vm2 =	veq.f32 v20, v12;
	v13 =	vsel vm0, $0x0, v0;
	v14 =	vsel vm1, $0x3F800000, v0  }
0x4b: {  	vm0 =	veq.f32 v19, v12;
	v13 =	vmin.f32 v13, v14;
	v14 =	vsel vm2, $0x40000000, v0  }
0x4c: {  	vm1 =	veq.f32 v21, v12;
	v13 =	vmin.f32 v13, v14;
	v14 =	vsel vm0, $0x40400000, v0  }
0x4d: {  	vm0 =	veq.f32 v10, v12;
	v13 =	vmin.f32 v13, v14;
	v14 =	vsel vm1, $0x40800000, v0  }
0x4e: {  	vm1 =	veq.f32 v11, v12;
	v13 =	vmin.f32 v13, v14;
	v14 =	vsel vm0, $0x40A00000, v0  }
0x4f: {  	vm0 =	veq.f32 v9, v12;
	v13 =	vmin.f32 v13, v14;
	v14 =	vsel vm1, $0x40C00000, v0  }
0x50: {  	v13 =	vmin.f32 v13, v14;
	v14 =	vsel vm0, $0x40E00000, v0  }
0x51: {  	v13 =	vmin.f32 v13, v14  }
0x52: {  	vm5 =	veq.f32 v13, $0.0e+00;
	vm6 =	veq.f32 v13, $1.000000000e+00  }
0x53: {  	vm7 =	veq.f32 v13, $2.000000000e+00;
	v14 =	vsel vm5, $0xBF800000, v15;
	v17 =	vsel vm6, $0xBF800000, v16  }
0x54: {  	vm4 =	veq.f32 v13, $3.000000000e+00;
	v18 =	vsel vm7, $0xBF800000, v20;
	v22 =	vmax.f32 v14, v17  }
0x55: {  	vm3 =	veq.f32 v13, $4.000000000e+00;
	v23 =	vsel vm4, $0xBF800000, v19;
	v22 =	vmax.f32 v22, v18  }
0x56: {  	vm1 =	veq.f32 v13, $5.000000000e+00;
	v24 =	vsel vm3, $0xBF800000, v21;
	v22 =	vmax.f32 v22, v23  }
0x57: {  	vm2 =	veq.f32 v13, $6.000000000e+00;
	v25 =	vsel vm1, $0xBF800000, v10;
	v22 =	vmax.f32 v22, v24  }
0x58: {  	vm0 =	veq.f32 v13, $7.000000000e+00;
	v13 =	vsel vm2, $0xBF800000, v11;
	v22 =	vmax.f32 v22, v25  }
0x59: {  	v26 =	vsel vm0, $0xBF800000, v9;
	v22 =	vmax.f32 v22, v13  }
0x5a: {  	v22 =	vmax.f32 v22, v26  }
0x5b: {  	v12 =	vadd.f32 v22, v12  }
0x5c: {  	vm8 =	veq.f32 v14, v22  }
0x5d: {  	vm9 =	veq.f32 v23, v22;
	vm10 =	veq.f32 v17, v22;
	v12 =	vadd.f32 $9.999999710e-10, v12  }
0x5e: {  	v14 =	vsel vm8, $0x0, v0;
	vm8 =	veq.f32 v18, v22;
	v17 =	vsel vm10, $0x3F800000, v0  }
0x5f: {  	v18 =	vsel vm8, $0x40000000, v0;
	v14 =	vmin.f32 v14, v17;
	(erf) = vrcp.f32 v12  }
0x60: {  	vm8 =	veq.f32 v24, v22;
	v14 =	vmin.f32 v14, v18;
	v12 =	vsel vm9, $0x40400000, v0  }
0x61: {  	vm15 =	veq.f32 v25, v22;
	v12 =	vmin.f32 v14, v12;
	v14 =	vsel vm8, $0x40800000, v0  }
0x62: {  	vm8 =	veq.f32 v13, v22;
	v13 =	vsel vm15, $0x40A00000, v0;
	v12 =	vmin.f32 v12, v14  }
0x63: {  	vm12 =	veq.f32 v26, v22;
	v14 =	vsel vm8, $0x40C00000, v0;
	v12 =	vmin.f32 v12, v13  }
0x64: {  	v13 =	vsel vm12, $0x40E00000, v0;
	v12 =	vmin.f32 v12, v14  }
0x65: {  	v17 =	vmin.f32 v12, v13  }
0x66: {  	vm8 =	veq.f32 v17, $0.0e+00;
	vm13 =	veq.f32 v17, $1.000000000e+00;
	vm14 =	veq.f32 v17, $2.000000000e+00  }
0x67: {  	vm15 =	veq.f32 v17, $4.000000000e+00;
	vm8 =	vmor vm5, vm8;
	vm9 =	vmor vm6, vm13  }
0x68: {  	vm5 =	vmor vm7, vm14;
	vm7 =	veq.f32 v17, $3.000000000e+00;
	vm6 =	veq.f32 v17, $5.000000000e+00;
	v18 =	vpop (erf)  }
0x69: {  	vm3 =	vmor vm3, vm15;
	v13 =	vmul.f32 v18, v15;
	v16 =	vmul.f32 v18, v16  }
0x6a: {  	vm4 =	vmor vm4, vm7;
	v14 =	vmul.f32 v18, v20;
	v12 =	vmul.f32 v18, v19  }
0x6b: {  	s15 =	simm.s32 $0x10;
	s16 =	simm.s32 $0x0;
	v15 =	vnsel vm8, $0x0, v13;
	v19 =	vnsel vm9, $0x0, v16;
	v13 =	vmul.f32 v18, v21  }
.LBB2_2:
0x6c: {  	p0 =	sne.s32 s15, $0x1F0  }
0x6d: {  	v10 =	vmul.f32 v18, v10;
	vm7 =	veq.f32 v17, $6.000000000e+00;
	v11 =	vmul.f32 v18, v11;
	s16 =	sadd.s32 $0x80, s16;
	s17 =	smov.u32 s15;
	s15 =	sadd.s32 $0x10, s15  }
0x6e: {  	vm1 =	vmor vm1, vm6;
	v9 =	vmul.f32 v18, v9;
	vm2 =	vmor vm2, vm7  }
0x6f: {  	vm6 =	veq.f32 v17, $7.000000000e+00;
	[tilespmem:s12+$0x1080] =	vst v19  }
0x70: {  	v14 =	vnsel vm5, $0x0, v14;
	vm0 =	vmor vm0, vm6;
	[tilespmem:s12+$0x1000] =	vst v15  }
0x71: {  	v12 =	vnsel vm4, $0x0, v12;
	[tilespmem:s12+$0x1100] =	vst v14  }
0x72: {  	[tilespmem:s14+$0x1000] =	vst v12;
	v12 =	vnsel vm3, $0x0, v13  }
0x73: {  	v10 =	vnsel vm1, $0x0, v10;
	v11 =	vnsel vm2, $0x0, v11;
	[tilespmem:s12+$0x1200] =	vst v12  }
0x74: {  	v9 =	vnsel vm0, $0x0, v9;
	[tilespmem:s12+$0x1300] =	vst v11  }
0x75: {  	s18 =	sand.u32 $0xC00, s16;
	s14 =	sand.u32 $0x70, s17;
	[tilespmem:s12+$0x1280] =	vst v10  }
0x76: {  	s12 =	sor.u32 s14, s18;
	s14 =	sor.u32 s18, s17;
	[tilespmem:s13+$0x1000] =	vst v9  }
0x77: {  	s14 =	sor.u32 $0x180, s14;
	v9 =	vld [tilespmem:s12+$0x0]  }
0x78: {  	v10 =	vld [tilespmem:s12+$0x80]  }
0x79: {  	v11 =	vld [tilespmem:s12+$0x100]  }
0x7a: {  	v12 =	vld [tilespmem:s14+$0x0]  }
0x7b: {  	v13 =	vld [tilespmem:s12+$0x200]  }
0x7c: {  	s13 =	sor.u32 s16, s17;
	v14 =	vld [tilespmem:s12+$0x280]  }
0x7d: {  	s13 =	sor.u32 $0x380, s13;
	v15 =	vld [tilespmem:s12+$0x300];
	v16 =	vmax.f32 v9, v10  }
0x7e: {  	v17 =	vld [tilespmem:s13+$0x0];
	v16 =	vmax.f32 v16, v11  }
0x7f: {  	v16 =	vmax.f32 v16, v12  }
0x80: {  	v16 =	vmax.f32 v16, v13  }
0x81: {  	v16 =	vmax.f32 v16, v14  }
0x82: {  	v16 =	vmax.f32 v16, v15  }
0x83: {  	v16 =	vmax.f32 v16, v17  }
0x84: {  	v9 =	vsub.f32 v9, v16;
	v10 =	vsub.f32 v10, v16  }
0x85: {  	v11 =	vsub.f32 v11, v16;
	v12 =	vsub.f32 v12, v16  }
0x86: {  	v13 =	vsub.f32 v13, v16;
	v9 =	vmul.f32 $1.442695020e+00, v9;
	v10 =	vmul.f32 $1.442695020e+00, v10  }
0x87: {  	v14 =	vsub.f32 v14, v16;
	v11 =	vmul.f32 $1.442695020e+00, v11;
	v12 =	vmul.f32 $1.442695020e+00, v12  }
0x88: {  	v15 =	vsub.f32 v15, v16;
	v13 =	vmul.f32 $1.442695020e+00, v13;
	(erf) = vpow2.f32 v9  }
0x89: {  	v9 =	vmul.f32 $1.442695020e+00, v14;
	v14 =	vsub.f32 v17, v16;
	(erf) = vpow2.f32 v10  }
0x8a: {  	v10 =	vmul.f32 $1.442695020e+00, v15;
	(erf) = vpow2.f32 v12  }
0x8b: {  	v12 =	vmul.f32 $1.442695020e+00, v14;
	(erf) = vpow2.f32 v11;
	_ =	sdelay $0x3  }
0x8c: {  	(erf) = vpow2.f32 v13;
	_ =	sdelay $0x1  }
0x8d: {  	v11 =	vpop (erf);
	(erf) = vpow2.f32 v9  }
0x8e: {  	v9 =	vpop (erf)  }
0x8f: {  	v13 =	vadd.f32 v9, v11;
	v14 =	vpop (erf);
	(erf) = vpow2.f32 v10  }
0x90: {  	v10 =	vpop (erf)  }
0x91: {  	v15 =	vadd.f32 v13, v10;
	(erf) = vpow2.f32 v12;
	_ =	sdelay $0x1  }
0x92: {  	v12 =	vadd.f32 v15, v14  }
0x93: {  	v13 =	vpop (erf)  }
0x94: {  	v12 =	vadd.f32 v12, v13  }
0x95: {  	v15 =	vpop (erf)  }
0x96: {  	v12 =	vadd.f32 v12, v15  }
0x97: {  	v16 =	vpop (erf)  }
0x98: {  	v12 =	vadd.f32 v12, v16  }
0x99: {  	v17 =	vpop (erf)  }
0x9a: {  	v12 =	vadd.f32 v12, v17;
	_ =	sdelay $0x1  }
0x9b: {  	(erf) = vrcp.f32 v12;
	_ =	sdelay $0x8  }
0x9c: {  	v18 =	vpop (erf)  }
0x9d: {  	v11 =	vmul.f32 v18, v11;
	v12 =	vmul.f32 v18, v14  }
0x9e: {  	v9 =	vmul.f32 v18, v9;
	v10 =	vmul.f32 v18, v10  }
0x9f: {  	v19 =	vmul.f32 v18, v13;
	vm0 =	vgt.f32 v11, v1;
	vm1 =	vgt.f32 v12, v3  }
0xa0: {  	v13 =	vnsel vm0, $0x0, v11;
	vm0 =	vgt.f32 v9, v2;
	v12 =	vnsel vm1, $0x0, v12  }
0xa1: {  	vm1 =	vgt.f32 v19, v5;
	v14 =	vnsel vm0, $0x0, v9;
	vm0 =	vgt.f32 v10, v4  }
0xa2: {  	v9 =	vmul.f32 v18, v15;
	v15 =	vnsel vm0, $0x0, v10;
	v10 =	vmax.f32 v13, v14  }
0xa3: {  	v17 =	vmul.f32 v18, v17;
	v11 =	vmul.f32 v18, v16;
	v10 =	vmax.f32 v10, v15  }
0xa4: {  	v16 =	vnsel vm1, $0x0, v19;
	vm0 =	vgt.f32 v9, v6;
	v18 =	vmax.f32 v10, v12  }
0xa5: {  	v10 =	vnsel vm0, $0x0, v9;
	vm0 =	vgt.f32 v11, v7;
	v9 =	vmax.f32 v18, v16  }
0xa6: {  	v11 =	vnsel vm0, $0x0, v11;
	vm0 =	vgt.f32 v17, v8;
	v18 =	vmax.f32 v9, v10  }
0xa7: {  	v9 =	vnsel vm0, $0x0, v17;
	v17 =	vmax.f32 v18, v11  }
0xa8: {  	v17 =	vmax.f32 v17, v9  }
0xa9: {  	vm0 =	veq.f32 v13, v17;
	vm1 =	veq.f32 v14, v17;
	vm2 =	veq.f32 v15, v17  }
0xaa: {  	v18 =	vsel vm0, $0x0, v0;
	v19 =	vsel vm1, $0x3F800000, v0;
	vm0 =	veq.f32 v16, v17  }
0xab: {  	vm1 =	veq.f32 v12, v17;
	v18 =	vmin.f32 v18, v19;
	v19 =	vsel vm2, $0x40000000, v0  }
0xac: {  	v18 =	vmin.f32 v18, v19;
	v19 =	vsel vm1, $0x40400000, v0;
	vm1 =	veq.f32 v10, v17  }
0xad: {  	v18 =	vmin.f32 v18, v19;
	v19 =	vsel vm0, $0x40800000, v0;
	vm0 =	veq.f32 v11, v17  }
0xae: {  	v18 =	vmin.f32 v18, v19;
	v19 =	vsel vm1, $0x40A00000, v0;
	vm1 =	veq.f32 v9, v17  }
0xaf: {  	v18 =	vmin.f32 v18, v19;
	v19 =	vsel vm0, $0x40C00000, v0  }
0xb0: {  	v18 =	vmin.f32 v18, v19;
	v19 =	vsel vm1, $0x40E00000, v0  }
0xb1: {  	v18 =	vmin.f32 v18, v19  }
0xb2: {  	vm5 =	veq.f32 v18, $0.0e+00;
	vm6 =	veq.f32 v18, $1.000000000e+00;
	vm7 =	veq.f32 v18, $2.000000000e+00  }
0xb3: {  	v19 =	vsel vm5, $0xBF800000, v13;
	v20 =	vsel vm6, $0xBF800000, v14;
	v21 =	vsel vm7, $0xBF800000, v15  }
0xb4: {  	vm4 =	veq.f32 v18, $3.000000000e+00;
	vm3 =	veq.f32 v18, $4.000000000e+00;
	v22 =	vmax.f32 v19, v20  }
0xb5: {  	vm1 =	veq.f32 v18, $5.000000000e+00;
	v23 =	vsel vm4, $0xBF800000, v12;
	v22 =	vmax.f32 v22, v21  }
0xb6: {  	vm2 =	veq.f32 v18, $6.000000000e+00;
	v24 =	vsel vm3, $0xBF800000, v16;
	v22 =	vmax.f32 v22, v23  }
0xb7: {  	vm0 =	veq.f32 v18, $7.000000000e+00;
	v25 =	vsel vm1, $0xBF800000, v10;
	v18 =	vmax.f32 v22, v24  }
0xb8: {  	v22 =	vsel vm2, $0xBF800000, v11;
	v18 =	vmax.f32 v18, v25  }
0xb9: {  	v26 =	vsel vm0, $0xBF800000, v9;
	v18 =	vmax.f32 v18, v22  }
0xba: {  	v18 =	vmax.f32 v18, v26  }
0xbb: {  	vm8 =	veq.f32 v19, v18;
	vm9 =	veq.f32 v23, v18;
	v17 =	vadd.f32 v18, v17  }
0xbc: {  	vm10 =	veq.f32 v21, v18;
	v19 =	vsel vm8, $0x0, v0;
	vm8 =	veq.f32 v20, v18  }
0xbd: {  	v20 =	vsel vm10, $0x40000000, v0;
	vm10 =	veq.f32 v25, v18;
	v17 =	vadd.f32 $9.999999710e-10, v17  }
0xbe: {  	v23 =	vsel vm9, $0x40400000, v0;
	v21 =	vsel vm8, $0x3F800000, v0;
	vm8 =	veq.f32 v24, v18  }
0xbf: {  	vm9 =	veq.f32 v22, v18;
	v19 =	vmin.f32 v19, v21;
	(erf) = vrcp.f32 v17  }
0xc0: {  	v17 =	vmin.f32 v19, v20;
	v19 =	vsel vm10, $0x40A00000, v0;
	vm10 =	veq.f32 v26, v18  }
0xc1: {  	v18 =	vsel vm8, $0x40800000, v0;
	v20 =	vsel vm9, $0x40C00000, v0;
	v17 =	vmin.f32 v17, v23  }
0xc2: {  	v17 =	vmin.f32 v17, v18  }
0xc3: {  	v17 =	vmin.f32 v17, v19  }
0xc4: {  	v18 =	vsel vm10, $0x40E00000, v0;
	v17 =	vmin.f32 v17, v20  }
0xc5: {  	v17 =	vmin.f32 v17, v18  }
0xc6: {  	vm8 =	veq.f32 v17, $0.0e+00;
	vm9 =	veq.f32 v17, $1.000000000e+00;
	vm10 =	veq.f32 v17, $2.000000000e+00  }
.Ltmp0:
0xc7: {  	vm8 =	vmor vm5, vm8;
	vm9 =	vmor vm6, vm9;
	vm5 =	vmor vm7, vm10;
	(pc) =	sbr.rel @p0 .LBB2_2-.Ltmp0, $4  }
0xc8: {  	vm7 =	veq.f32 v17, $3.000000000e+00;
	vm10 =	veq.f32 v17, $4.000000000e+00;
	vm6 =	veq.f32 v17, $5.000000000e+00;
	v18 =	vpop (erf)  }
0xc9: {  	vm4 =	vmor vm4, vm7;
	v13 =	vmul.f32 v18, v13;
	v19 =	vmul.f32 v18, v14  }
0xca: {  	vm3 =	vmor vm3, vm10;
	v14 =	vmul.f32 v18, v15;
	v12 =	vmul.f32 v18, v12  }
0xcb: {  	v15 =	vnsel vm8, $0x0, v13;
	v19 =	vnsel vm9, $0x0, v19;
	v13 =	vmul.f32 v18, v16  }
0xcc: {  	[tilespmem:s12+$0x1080] =	vst v19  }
0xcd: {  	v1 =	vmul.f32 v18, v10;
	[tilespmem:s12+$0x1000] =	vst v15;
	v2 =	vnsel vm5, $0x0, v14  }
0xce: {  	vm14 =	veq.f32 v17, $6.000000000e+00;
	v3 =	vmul.f32 v18, v11;
	[tilespmem:s12+$0x1100] =	vst v2;
	v2 =	vnsel vm4, $0x0, v12  }
0xcf: {  	vm1 =	vmor vm1, vm6;
	v4 =	vmul.f32 v18, v9;
	[tilespmem:s14+$0x1000] =	vst v2;
	v2 =	vnsel vm3, $0x0, v13  }
0xd0: {  	vm15 =	veq.f32 v17, $7.000000000e+00;
	vm2 =	vmor vm2, vm14;
	v1 =	vnsel vm1, $0x0, v1;
	[tilespmem:s12+$0x1200] =	vst v2  }
0xd1: {  	s11 =	sadd.s32 $0x1, s11;
	vm0 =	vmor vm0, vm15;
	v2 =	vnsel vm2, $0x0, v3;
	[tilespmem:s12+$0x1280] =	vst v1  }
0xd2: {  	p0 =	sne.s32 s11, s6;
	[tilespmem:s12+$0x1300] =	vst v2;
	v2 =	vnsel vm0, $0x0, v4  }
.Ltmp1:
0xd3: {  	[tilespmem:s13+$0x1000] =	vst v2;
	(pc) =	sbr.rel @p0 .LBB2_1-.Ltmp1, $4  }
0xd4: {  	[hbm4b:s5+s2] =	stream.linear.scatter [tilespmem:s10], [sflag:$0x2], $0x1000, $0x38;
	[tilespmem:$0x2400] =	vst v63  }
0xd5: {  	_ =	swait.ge [sflag:s8], $0x1000  }
0xd6: {  	[sflag:s8] =	ssyncset.done $0x0  }
0xd7: {  	[sflag:s8] =	ssyncadd.s32 $0xFFFFF000  }
0xd8: {  	_ =	sfence.sel $0x180000  }
0xd9: {  	[bflag:$0x0] =	sbarrier.arrive $0xFFFF  }
0xda: {  	p0 =	sne.s32 s1, $0x0;
	_ =	strace $0x90000047  }
0xdb: {  	s0 =	sadd.s32 @!p0 $0x100000, s0;
	[bflag:$0x2] =	sbarrier.arrive $0xFFFF  }
0xdc: {  	[sflag:s0] =	ssyncadd.tile.s32 @!p0 $0x1;
	_ =	shalt  }
.Lfunc_end2:
_tile_overlayer_lowered:
.L_overlay_start_2:
0xdd: {  	(tag) =	ssettag $0x2  }
0xde: {  	s0 =	rddreg [dreg:$0x0];
	s2 =	stileid.u32  }
0xdf: {  	s1 =	rddreg [dreg:$0x1];
	p0 =	sne.s32 s2, $0x0  }
0xe0: {  	s3 =	rddreg [dreg:$0x2];
	[bflag:$0x3] =	sbarrier.arrive $0xFFFF;
	s2 =	simm.s32 @!p0 $0x1C02  }
0xe1: {  	[timem:s3], [sflag:s2] =	dma.local @!p0 [hbm:s0], s1  }
0xe2: {  	s0 =	simm.s32 @!p0 $0x2  }
0xe3: {  	_ =	swait.ge @!p0 [sflag:s0], s1  }
0xe4: {  	s1 =	ssub.s32 @!p0 $0x0, s1;
	[sflag:s0] =	ssyncset.done @!p0 $0x0  }
0xe5: {  	[sflag:s0] =	ssyncadd.s32 @!p0 s1  }
0xe6: {  	[bflag:$0x3] =	sbarrier.arrive $0xFFFF  }
0xe7: {  	_ =	shalt  }

</sc_bundles>
